<compile_context>
chip_gen: v7x
topology: tpu7x:2x2x1
jax: 0.10.2.dev20260603
libtpu: 0.0.44.dev20260713+nightly
codegen_flags: <defaults>
</compile_context>

<pallas_src>
import functools

import jax
import jax.numpy as jnp
from jax import lax
from jax.experimental import pallas as pl
from jax.experimental.pallas import tpu as pltpu
from jax.experimental.pallas import tpu_sc as plsc

NUM_TOKENS = 200
EMB_DIM = 4096
BATCH = 128

NUM_CORES = 2
NUM_SUBCORES = 16
NUM_WORKERS = NUM_CORES * NUM_SUBCORES

SC_BATCH = 8
TC_BATCH = BATCH - SC_BATCH


@functools.partial(
    pl.kernel,
    mesh=plsc.VectorSubcoreMesh(core_axis_name="c", subcore_axis_name="s"),
    out_type=jax.ShapeDtypeStruct((BATCH, NUM_TOKENS, EMB_DIM), jnp.float32),
    scratch_types=[
        pltpu.VMEM_SHARED((NUM_TOKENS, EMB_DIM), jnp.float32),
    ],
)
def _sc_broadcast(table_hbm, out_hbm, shared):
    sid = lax.axis_index("s")
    wid = sid * NUM_CORES + lax.axis_index("c")

    @pl.when(sid == 0)
    def _():
        pltpu.sync_copy(table_hbm, shared)

    plsc.subcore_barrier()

    @pl.when(wid < SC_BATCH)
    def _():
        pltpu.sync_copy(shared, out_hbm.at[TC_BATCH + wid])


NUM_TC_SEMS = 8


def _tc_body(table_ref, buf_ref, out_ref, *sems):
    del buf_ref
    handles = [
        pltpu.make_async_copy(table_ref, out_ref.at[b], sems[b % NUM_TC_SEMS])
        for b in range(TC_BATCH)
    ]
    for h in handles:
        h.start()
    for h in handles:
        h.wait()


_tc_fill = pl.pallas_call(
    _tc_body,
    in_specs=[
        pl.BlockSpec(memory_space=pltpu.MemorySpace.VMEM),
        pl.BlockSpec(memory_space=pl.ANY),
    ],
    out_specs=pl.BlockSpec(memory_space=pl.ANY),
    out_shape=jax.ShapeDtypeStruct((BATCH, NUM_TOKENS, EMB_DIM), jnp.float32),
    input_output_aliases={1: 0},
    scratch_shapes=[pltpu.SemaphoreType.DMA] * NUM_TC_SEMS,
)


def kernel(batch_size, virtual_embeddings):
    scale = (jnp.asarray(batch_size, jnp.int32) - BATCH + 1).astype(
        virtual_embeddings.dtype
    )
    table = virtual_embeddings * scale
    sc_out = _sc_broadcast(table)
    return _tc_fill(table, sc_out)

# --- scband reference (transcript-rebuilt; emitter-appended) ---
"""Pipeline reference for scband-ptuning-prompt-68410239091270 (READ-ONLY COPY).

The authoritative reference and input builder live on the scoring server;
editing this copy changes nothing except your own understanding.
"""

import jax, jax.numpy as jnp
import numpy as np

NUM_VIRTUAL_TOKENS = 200
EMBEDDING_DIM = 4096
BATCH_SIZE = 128


def setup_inputs(seed: int = 0) -> dict:
    key = jax.random.key(seed)
    virtual_embeddings = jax.random.normal(
        key, (NUM_VIRTUAL_TOKENS, EMBEDDING_DIM), dtype=jnp.float32
    )
    return {"batch_size": 128, "virtual_embeddings": virtual_embeddings}


def reference(batch_size, virtual_embeddings):
    # torch: self.virtual_embeddings(torch.arange(N).expand(B, -1))
    n = virtual_embeddings.shape[0]
    d = virtual_embeddings.shape[1]
    idx = jnp.arange(n, dtype=jnp.int32)
    emb = jnp.take(virtual_embeddings, idx, axis=0)  # [N, D] embedding gather
    out = jnp.broadcast_to(emb[None, :, :], (BATCH_SIZE, n, d))  # expand over batch
    one = jnp.asarray(batch_size - BATCH_SIZE + 1, dtype=out.dtype)
    out = out * one
    return out

if __name__ == "__main__":
    import jax
    _d = setup_inputs()
    print(jax.jit(kernel)(*tuple(_d.values())))

</pallas_src>

<mosaic_0001>
#map = affine_map<(d0, d1) -> (0, 0)>
#map1 = affine_map<(d0, d1) -> (0, 0, 0)>
module attributes {stable_mosaic.version = 14 : i64} {
  func.func @_sc_broadcast(%arg0: i32, %arg1: i32, %arg2: memref<200x4096xf32, #tpu.memory_space<hbm>>, %arg3: memref<128x200x4096xf32, #tpu.memory_space<hbm>>, %arg4: memref<200x4096xf32, #tpu.memory_space<vmem_shared>>) attributes {dimension_semantics = [#tpu.dimension_semantics<core_parallel>, #tpu.dimension_semantics<subcore_parallel>], iteration_bounds = array<i64: 2, 16>, scalar_prefetch = 0 : i64, scratch_operands = 1 : i64, tpu.core_type = #tpu.core_type<sc_vector_subcore>, window_params = [{transform_indices = #map}, {transform_indices = #map1}]} {
    %mul3A = arith.constant 2 : i32
    %mul3A_0 = arith.muli %arg1, %mul3A : i32
    %add3A = arith.addi %mul3A_0, %arg0 : i32
    %eq3A = arith.constant 0 : i32
    %eq3A_1 = arith.cmpi eq, %arg1, %eq3A : i32
    %convert_element_type3A = arith.extui %eq3A_1 : i1 to i32
    %cond3A = arith.constant 0 : i32
    %cond3A_2 = arith.cmpi ne, %convert_element_type3A, %cond3A : i32
    scf.if %cond3A_2 {
      "tpu.region"() ({
        %run_scoped3A = tpu.sem_alloc : memref<!tpu.dma_semaphore, #tpu.memory_space<semaphore_mem>>
        tpu.enqueue_dma source(%arg2 : memref<200x4096xf32, #tpu.memory_space<hbm>>) target(%arg4 : memref<200x4096xf32, #tpu.memory_space<vmem_shared>>) target_semaphore(%run_scoped3A : memref<!tpu.dma_semaphore, #tpu.memory_space<semaphore_mem>>)
        tpu.wait_dma2 semaphore(%run_scoped3A : memref<!tpu.dma_semaphore, #tpu.memory_space<semaphore_mem>>) src(%arg2 : memref<200x4096xf32, #tpu.memory_space<hbm>>) dst(%arg4 : memref<200x4096xf32, #tpu.memory_space<vmem_shared>>)
        tpu.yield
      }) : () -> ()
    } else {
    }
    %barrier3A = arith.constant 0 : index
    tpu.barrier barrier_id(%barrier3A)
    %lt3A = arith.constant 8 : i32
    %lt3A_3 = arith.cmpi slt, %add3A, %lt3A : i32
    %convert_element_type3A_4 = arith.extui %lt3A_3 : i1 to i32
    %cond3A_5 = arith.constant 0 : i32
    %cond3A_6 = arith.cmpi ne, %convert_element_type3A_4, %cond3A_5 : i32
    scf.if %cond3A_6 {
      %add3A_7 = arith.constant 120 : i32
      %add3A_8 = arith.addi %add3A_7, %add3A : i32
      "tpu.region"() ({
        %run_scoped3A = tpu.sem_alloc : memref<!tpu.dma_semaphore, #tpu.memory_space<semaphore_mem>>
        %dma_start3A = arith.constant 0 : i32
        %dma_start3A_9 = arith.constant 0 : i32
        %dma_start3A_10 = tpu.memref_slice %arg3[%add3A_8, %dma_start3A, %dma_start3A_9] : memref<128x200x4096xf32, #tpu.memory_space<hbm>> -> memref<1x200x4096xf32, #tpu.memory_space<hbm>>
        %dma_start3A_11 = tpu.memref_squeeze %dma_start3A_10 : memref<1x200x4096xf32, #tpu.memory_space<hbm>> -> memref<200x4096xf32, #tpu.memory_space<hbm>>
        tpu.enqueue_dma source(%arg4 : memref<200x4096xf32, #tpu.memory_space<vmem_shared>>) target(%dma_start3A_11 : memref<200x4096xf32, #tpu.memory_space<hbm>>) target_semaphore(%run_scoped3A : memref<!tpu.dma_semaphore, #tpu.memory_space<semaphore_mem>>)
        %dma_wait3A = arith.constant 0 : i32
        %dma_wait3A_12 = arith.constant 0 : i32
        %dma_wait3A_13 = tpu.memref_slice %arg3[%add3A_8, %dma_wait3A, %dma_wait3A_12] : memref<128x200x4096xf32, #tpu.memory_space<hbm>> -> memref<1x200x4096xf32, #tpu.memory_space<hbm>>
        %dma_wait3A_14 = tpu.memref_squeeze %dma_wait3A_13 : memref<1x200x4096xf32, #tpu.memory_space<hbm>> -> memref<200x4096xf32, #tpu.memory_space<hbm>>
        tpu.wait_dma2 semaphore(%run_scoped3A : memref<!tpu.dma_semaphore, #tpu.memory_space<semaphore_mem>>) src(%arg4 : memref<200x4096xf32, #tpu.memory_space<vmem_shared>>) dst(%dma_wait3A_14 : memref<200x4096xf32, #tpu.memory_space<hbm>>)
        tpu.yield
      }) : () -> ()
    } else {
    }
    return
  }
}

module attributes {stable_mosaic.version = 14 : i64} {
  func.func @_tc_body(%arg0: memref<200x4096xf32, #tpu.memory_space<vmem>>, %arg1: memref<128x200x4096xf32, #tpu.memory_space<any>>, %arg2: memref<128x200x4096xf32, #tpu.memory_space<any>>, %arg3: memref<!tpu.dma_semaphore, #tpu.memory_space<semaphore_mem>>, %arg4: memref<!tpu.dma_semaphore, #tpu.memory_space<semaphore_mem>>, %arg5: memref<!tpu.dma_semaphore, #tpu.memory_space<semaphore_mem>>, %arg6: memref<!tpu.dma_semaphore, #tpu.memory_space<semaphore_mem>>, %arg7: memref<!tpu.dma_semaphore, #tpu.memory_space<semaphore_mem>>, %arg8: memref<!tpu.dma_semaphore, #tpu.memory_space<semaphore_mem>>, %arg9: memref<!tpu.dma_semaphore, #tpu.memory_space<semaphore_mem>>, %arg10: memref<!tpu.dma_semaphore, #tpu.memory_space<semaphore_mem>>) attributes {dimension_semantics = [], scalar_prefetch = 0 : i64, scratch_operands = 8 : i64, tpu.core_type = #tpu.core_type<tc>} {
    %dma_start3A = arith.constant 0 : i32
    %dma_start3A_0 = arith.constant 0 : i32
    %dma_start3A_1 = arith.constant 0 : i32
    %dma_start3A_2 = tpu.memref_slice %arg2[%dma_start3A, %dma_start3A_0, %dma_start3A_1] : memref<128x200x4096xf32, #tpu.memory_space<any>> -> memref<1x200x4096xf32, #tpu.memory_space<any>>
    %dma_start3A_3 = tpu.memref_squeeze %dma_start3A_2 : memref<1x200x4096xf32, #tpu.memory_space<any>> -> memref<200x4096xf32, #tpu.memory_space<any>>
    tpu.enqueue_dma source(%arg0 : memref<200x4096xf32, #tpu.memory_space<vmem>>) target(%dma_start3A_3 : memref<200x4096xf32, #tpu.memory_space<any>>) target_semaphore(%arg3 : memref<!tpu.dma_semaphore, #tpu.memory_space<semaphore_mem>>)
    %dma_start3A_4 = arith.constant 1 : i32
    %dma_start3A_5 = arith.constant 0 : i32
    %dma_start3A_6 = arith.constant 0 : i32
    %dma_start3A_7 = tpu.memref_slice %arg2[%dma_start3A_4, %dma_start3A_5, %dma_start3A_6] : memref<128x200x4096xf32, #tpu.memory_space<any>> -> memref<1x200x4096xf32, #tpu.memory_space<any>>
    %dma_start3A_8 = tpu.memref_squeeze %dma_start3A_7 : memref<1x200x4096xf32, #tpu.memory_space<any>> -> memref<200x4096xf32, #tpu.memory_space<any>>
    tpu.enqueue_dma source(%arg0 : memref<200x4096xf32, #tpu.memory_space<vmem>>) target(%dma_start3A_8 : memref<200x4096xf32, #tpu.memory_space<any>>) target_semaphore(%arg4 : memref<!tpu.dma_semaphore, #tpu.memory_space<semaphore_mem>>)
    %dma_start3A_9 = arith.constant 2 : i32
    %dma_start3A_10 = arith.constant 0 : i32
    %dma_start3A_11 = arith.constant 0 : i32
    %dma_start3A_12 = tpu.memref_slice %arg2[%dma_start3A_9, %dma_start3A_10, %dma_start3A_11] : memref<128x200x4096xf32, #tpu.memory_space<any>> -> memref<1x200x4096xf32, #tpu.memory_space<any>>
    %dma_start3A_13 = tpu.memref_squeeze %dma_start3A_12 : memref<1x200x4096xf32, #tpu.memory_space<any>> -> memref<200x4096xf32, #tpu.memory_space<any>>
    tpu.enqueue_dma source(%arg0 : memref<200x4096xf32, #tpu.memory_space<vmem>>) target(%dma_start3A_13 : memref<200x4096xf32, #tpu.memory_space<any>>) target_semaphore(%arg5 : memref<!tpu.dma_semaphore, #tpu.memory_space<semaphore_mem>>)
    %dma_start3A_14 = arith.constant 3 : i32
    %dma_start3A_15 = arith.constant 0 : i32
    %dma_start3A_16 = arith.constant 0 : i32
    %dma_start3A_17 = tpu.memref_slice %arg2[%dma_start3A_14, %dma_start3A_15, %dma_start3A_16] : memref<128x200x4096xf32, #tpu.memory_space<any>> -> memref<1x200x4096xf32, #tpu.memory_space<any>>
    %dma_start3A_18 = tpu.memref_squeeze %dma_start3A_17 : memref<1x200x4096xf32, #tpu.memory_space<any>> -> memref<200x4096xf32, #tpu.memory_space<any>>
    tpu.enqueue_dma source(%arg0 : memref<200x4096xf32, #tpu.memory_space<vmem>>) target(%dma_start3A_18 : memref<200x4096xf32, #tpu.memory_space<any>>) target_semaphore(%arg6 : memref<!tpu.dma_semaphore, #tpu.memory_space<semaphore_mem>>)
    %dma_start3A_19 = arith.constant 4 : i32
    %dma_start3A_20 = arith.constant 0 : i32
    %dma_start3A_21 = arith.constant 0 : i32
    %dma_start3A_22 = tpu.memref_slice %arg2[%dma_start3A_19, %dma_start3A_20, %dma_start3A_21] : memref<128x200x4096xf32, #tpu.memory_space<any>> -> memref<1x200x4096xf32, #tpu.memory_space<any>>
    %dma_start3A_23 = tpu.memref_squeeze %dma_start3A_22 : memref<1x200x4096xf32, #tpu.memory_space<any>> -> memref<200x4096xf32, #tpu.memory_space<any>>
    tpu.enqueue_dma source(%arg0 : memref<200x4096xf32, #tpu.memory_space<vmem>>) target(%dma_start3A_23 : memref<200x4096xf32, #tpu.memory_space<any>>) target_semaphore(%arg7 : memref<!tpu.dma_semaphore, #tpu.memory_space<semaphore_mem>>)
    %dma_start3A_24 = arith.constant 5 : i32
    %dma_start3A_25 = arith.constant 0 : i32
    %dma_start3A_26 = arith.constant 0 : i32
    %dma_start3A_27 = tpu.memref_slice %arg2[%dma_start3A_24, %dma_start3A_25, %dma_start3A_26] : memref<128x200x4096xf32, #tpu.memory_space<any>> -> memref<1x200x4096xf32, #tpu.memory_space<any>>
    %dma_start3A_28 = tpu.memref_squeeze %dma_start3A_27 : memref<1x200x4096xf32, #tpu.memory_space<any>> -> memref<200x4096xf32, #tpu.memory_space<any>>
    tpu.enqueue_dma source(%arg0 : memref<200x4096xf32, #tpu.memory_space<vmem>>) target(%dma_start3A_28 : memref<200x4096xf32, #tpu.memory_space<any>>) target_semaphore(%arg8 : memref<!tpu.dma_semaphore, #tpu.memory_space<semaphore_mem>>)
    %dma_start3A_29 = arith.constant 6 : i32
    %dma_start3A_30 = arith.constant 0 : i32
    %dma_start3A_31 = arith.constant 0 : i32
    %dma_start3A_32 = tpu.memref_slice %arg2[%dma_start3A_29, %dma_start3A_30, %dma_start3A_31] : memref<128x200x4096xf32, #tpu.memory_space<any>> -> memref<1x200x4096xf32, #tpu.memory_space<any>>
    %dma_start3A_33 = tpu.memref_squeeze %dma_start3A_32 : memref<1x200x4096xf32, #tpu.memory_space<any>> -> memref<200x4096xf32, #tpu.memory_space<any>>
    tpu.enqueue_dma source(%arg0 : memref<200x4096xf32, #tpu.memory_space<vmem>>) target(%dma_start3A_33 : memref<200x4096xf32, #tpu.memory_space<any>>) target_semaphore(%arg9 : memref<!tpu.dma_semaphore, #tpu.memory_space<semaphore_mem>>)
    %dma_start3A_34 = arith.constant 7 : i32
    %dma_start3A_35 = arith.constant 0 : i32
    %dma_start3A_36 = arith.constant 0 : i32
    %dma_start3A_37 = tpu.memref_slice %arg2[%dma_start3A_34, %dma_start3A_35, %dma_start3A_36] : memref<128x200x4096xf32, #tpu.memory_space<any>> -> memref<1x200x4096xf32, #tpu.memory_space<any>>
    %dma_start3A_38 = tpu.memref_squeeze %dma_start3A_37 : memref<1x200x4096xf32, #tpu.memory_space<any>> -> memref<200x4096xf32, #tpu.memory_space<any>>
    tpu.enqueue_dma source(%arg0 : memref<200x4096xf32, #tpu.memory_space<vmem>>) target(%dma_start3A_38 : memref<200x4096xf32, #tpu.memory_space<any>>) target_semaphore(%arg10 : memref<!tpu.dma_semaphore, #tpu.memory_space<semaphore_mem>>)
    %dma_start3A_39 = arith.constant 8 : i32
    %dma_start3A_40 = arith.constant 0 : i32
    %dma_start3A_41 = arith.constant 0 : i32
    %dma_start3A_42 = tpu.memref_slice %arg2[%dma_start3A_39, %dma_start3A_40, %dma_start3A_41] : memref<128x200x4096xf32, #tpu.memory_space<any>> -> memref<1x200x4096xf32, #tpu.memory_space<any>>
    %dma_start3A_43 = tpu.memref_squeeze %dma_start3A_42 : memref<1x200x4096xf32, #tpu.memory_space<any>> -> memref<200x4096xf32, #tpu.memory_space<any>>
    tpu.enqueue_dma source(%arg0 : memref<200x4096xf32, #tpu.memory_space<vmem>>) target(%dma_start3A_43 : memref<200x4096xf32, #tpu.memory_space<any>>) target_semaphore(%arg3 : memref<!tpu.dma_semaphore, #tpu.memory_space<semaphore_mem>>)
    %dma_start3A_44 = arith.constant 9 : i32
    %dma_start3A_45 = arith.constant 0 : i32
    %dma_start3A_46 = arith.constant 0 : i32
    %dma_start3A_47 = tpu.memref_slice %arg2[%dma_start3A_44, %dma_start3A_45, %dma_start3A_46] : memref<128x200x4096xf32, #tpu.memory_space<any>> -> memref<1x200x4096xf32, #tpu.memory_space<any>>
    %dma_start3A_48 = tpu.memref_squeeze %dma_start3A_47 : memref<1x200x4096xf32, #tpu.memory_space<any>> -> memref<200x4096xf32, #tpu.memory_space<any>>
    tpu.enqueue_dma source(%arg0 : memref<200x4096xf32, #tpu.memory_space<vmem>>) target(%dma_start3A_48 : memref<200x4096xf32, #tpu.memory_space<any>>) target_semaphore(%arg4 : memref<!tpu.dma_semaphore, #tpu.memory_space<semaphore_mem>>)
    %dma_start3A_49 = arith.constant 10 : i32
    %dma_start3A_50 = arith.constant 0 : i32
    %dma_start3A_51 = arith.constant 0 : i32
    %dma_start3A_52 = tpu.memref_slice %arg2[%dma_start3A_49, %dma_start3A_50, %dma_start3A_51] : memref<128x200x4096xf32, #tpu.memory_space<any>> -> memref<1x200x4096xf32, #tpu.memory_space<any>>
    %dma_start3A_53 = tpu.memref_squeeze %dma_start3A_52 : memref<1x200x4096xf32, #tpu.memory_space<any>> -> memref<200x4096xf32, #tpu.memory_space<any>>
    tpu.enqueue_dma source(%arg0 : memref<200x4096xf32, #tpu.memory_space<vmem>>) target(%dma_start3A_53 : memref<200x4096xf32, #tpu.memory_space<any>>) target_semaphore(%arg5 : memref<!tpu.dma_semaphore, #tpu.memory_space<semaphore_mem>>)
    %dma_start3A_54 = arith.constant 11 : i32
    %dma_start3A_55 = arith.constant 0 : i32
    %dma_start3A_56 = arith.constant 0 : i32
    %dma_start3A_57 = tpu.memref_slice %arg2[%dma_start3A_54, %dma_start3A_55, %dma_start3A_56] : memref<128x200x4096xf32, #tpu.memory_space<any>> -> memref<1x200x4096xf32, #tpu.memory_space<any>>
    %dma_start3A_58 = tpu.memref_squeeze %dma_start3A_57 : memref<1x200x4096xf32, #tpu.memory_space<any>> -> memref<200x4096xf32, #tpu.memory_space<any>>
    tpu.enqueue_dma source(%arg0 : memref<200x4096xf32, #tpu.memory_space<vmem>>) target(%dma_start3A_58 : memref<200x4096xf32, #tpu.memory_space<any>>) target_semaphore(%arg6 : memref<!tpu.dma_semaphore, #tpu.memory_space<semaphore_mem>>)
    %dma_start3A_59 = arith.constant 12 : i32
    %dma_start3A_60 = arith.constant 0 : i32
    %dma_start3A_61 = arith.constant 0 : i32
    %dma_start3A_62 = tpu.memref_slice %arg2[%dma_start3A_59, %dma_start3A_60, %dma_start3A_61] : memref<128x200x4096xf32, #tpu.memory_space<any>> -> memref<1x200x4096xf32, #tpu.memory_space<any>>
    %dma_start3A_63 = tpu.memref_squeeze %dma_start3A_62 : memref<1x200x4096xf32, #tpu.memory_space<any>> -> memref<200x4096xf32, #tpu.memory_space<any>>
    tpu.enqueue_dma source(%arg0 : memref<200x4096xf32, #tpu.memory_space<vmem>>) target(%dma_start3A_63 : memref<200x4096xf32, #tpu.memory_space<any>>) target_semaphore(%arg7 : memref<!tpu.dma_semaphore, #tpu.memory_space<semaphore_mem>>)
    %dma_start3A_64 = arith.constant 13 : i32
    %dma_start3A_65 = arith.constant 0 : i32
    %dma_start3A_66 = arith.constant 0 : i32
    %dma_start3A_67 = tpu.memref_slice %arg2[%dma_start3A_64, %dma_start3A_65, %dma_start3A_66] : memref<128x200x4096xf32, #tpu.memory_space<any>> -> memref<1x200x4096xf32, #tpu.memory_space<any>>
    %dma_start3A_68 = tpu.memref_squeeze %dma_start3A_67 : memref<1x200x4096xf32, #tpu.memory_space<any>> -> memref<200x4096xf32, #tpu.memory_space<any>>
    tpu.enqueue_dma source(%arg0 : memref<200x4096xf32, #tpu.memory_space<vmem>>) target(%dma_start3A_68 : memref<200x4096xf32, #tpu.memory_space<any>>) target_semaphore(%arg8 : memref<!tpu.dma_semaphore, #tpu.memory_space<semaphore_mem>>)
    %dma_start3A_69 = arith.constant 14 : i32
    %dma_start3A_70 = arith.constant 0 : i32
    %dma_start3A_71 = arith.constant 0 : i32
    %dma_start3A_72 = tpu.memref_slice %arg2[%dma_start3A_69, %dma_start3A_70, %dma_start3A_71] : memref<128x200x4096xf32, #tpu.memory_space<any>> -> memref<1x200x4096xf32, #tpu.memory_space<any>>
    %dma_start3A_73 = tpu.memref_squeeze %dma_start3A_72 : memref<1x200x4096xf32, #tpu.memory_space<any>> -> memref<200x4096xf32, #tpu.memory_space<any>>
    tpu.enqueue_dma source(%arg0 : memref<200x4096xf32, #tpu.memory_space<vmem>>) target(%dma_start3A_73 : memref<200x4096xf32, #tpu.memory_space<any>>) target_semaphore(%arg9 : memref<!tpu.dma_semaphore, #tpu.memory_space<semaphore_mem>>)
    %dma_start3A_74 = arith.constant 15 : i32
    %dma_start3A_75 = arith.constant 0 : i32
    %dma_start3A_76 = arith.constant 0 : i32
    %dma_start3A_77 = tpu.memref_slice %arg2[%dma_start3A_74, %dma_start3A_75, %dma_start3A_76] : memref<128x200x4096xf32, #tpu.memory_space<any>> -> memref<1x200x4096xf32, #tpu.memory_space<any>>
    %dma_start3A_78 = tpu.memref_squeeze %dma_start3A_77 : memref<1x200x4096xf32, #tpu.memory_space<any>> -> memref<200x4096xf32, #tpu.memory_space<any>>
    tpu.enqueue_dma source(%arg0 : memref<200x4096xf32, #tpu.memory_space<vmem>>) target(%dma_start3A_78 : memref<200x4096xf32, #tpu.memory_space<any>>) target_semaphore(%arg10 : memref<!tpu.dma_semaphore, #tpu.memory_space<semaphore_mem>>)
    %dma_start3A_79 = arith.constant 16 : i32
    %dma_start3A_80 = arith.constant 0 : i32
    %dma_start3A_81 = arith.constant 0 : i32
    %dma_start3A_82 = tpu.memref_slice %arg2[%dma_start3A_79, %dma_start3A_80, %dma_start3A_81] : memref<128x200x4096xf32, #tpu.memory_space<any>> -> memref<1x200x4096xf32, #tpu.memory_space<any>>
    %dma_start3A_83 = tpu.memref_squeeze %dma_start3A_82 : memref<1x200x4096xf32, #tpu.memory_space<any>> -> memref<200x4096xf32, #tpu.memory_space<any>>
    tpu.enqueue_dma source(%arg0 : memref<200x4096xf32, #tpu.memory_space<vmem>>) target(%dma_start3A_83 : memref<200x4096xf32, #tpu.memory_space<any>>) target_semaphore(%arg3 : memref<!tpu.dma_semaphore, #tpu.memory_space<semaphore_mem>>)
    %dma_start3A_84 = arith.constant 17 : i32
    %dma_start3A_85 = arith.constant 0 : i32
    %dma_start3A_86 = arith.constant 0 : i32
    %dma_start3A_87 = tpu.memref_slice %arg2[%dma_start3A_84, %dma_start3A_85, %dma_start3A_86] : memref<128x200x4096xf32, #tpu.memory_space<any>> -> memref<1x200x4096xf32, #tpu.memory_space<any>>
    %dma_start3A_88 = tpu.memref_squeeze %dma_start3A_87 : memref<1x200x4096xf32, #tpu.memory_space<any>> -> memref<200x4096xf32, #tpu.memory_space<any>>
    tpu.enqueue_dma source(%arg0 : memref<200x4096xf32, #tpu.memory_space<vmem>>) target(%dma_start3A_88 : memref<200x4096xf32, #tpu.memory_space<any>>) target_semaphore(%arg4 : memref<!tpu.dma_semaphore, #tpu.memory_space<semaphore_mem>>)
    %dma_start3A_89 = arith.constant 18 : i32
    %dma_start3A_90 = arith.constant 0 : i32
    %dma_start3A_91 = arith.constant 0 : i32
    %dma_start3A_92 = tpu.memref_slice %arg2[%dma_start3A_89, %dma_start3A_90, %dma_start3A_91] : memref<128x200x4096xf32, #tpu.memory_space<any>> -> memref<1x200x4096xf32, #tpu.memory_space<any>>
    %dma_start3A_93 = tpu.memref_squeeze %dma_start3A_92 : memref<1x200x4096xf32, #tpu.memory_space<any>> -> memref<200x4096xf32, #tpu.memory_space<any>>
    tpu.enqueue_dma source(%arg0 : memref<200x4096xf32, #tpu.memory_space<vmem>>) target(%dma_start3A_93 : memref<200x4096xf32, #tpu.memory_space<any>>) target_semaphore(%arg5 : memref<!tpu.dma_semaphore, #tpu.memory_space<semaphore_mem>>)
    %dma_start3A_94 = arith.constant 19 : i32
    %dma_start3A_95 = arith.constant 0 : i32
    %dma_start3A_96 = arith.constant 0 : i32
    %dma_start3A_97 = tpu.memref_slice %arg2[%dma_start3A_94, %dma_start3A_95, %dma_start3A_96] : memref<128x200x4096xf32, #tpu.memory_space<any>> -> memref<1x200x4096xf32, #tpu.memory_space<any>>
    %dma_start3A_98 = tpu.memref_squeeze %dma_start3A_97 : memref<1x200x4096xf32, #tpu.memory_space<any>> -> memref<200x4096xf32, #tpu.memory_space<any>>
    tpu.enqueue_dma source(%arg0 : memref<200x4096xf32, #tpu.memory_space<vmem>>) target(%dma_start3A_98 : memref<200x4096xf32, #tpu.memory_space<any>>) target_semaphore(%arg6 : memref<!tpu.dma_semaphore, #tpu.memory_space<semaphore_mem>>)
    %dma_start3A_99 = arith.constant 20 : i32
    %dma_start3A_100 = arith.constant 0 : i32
    %dma_start3A_101 = arith.constant 0 : i32
    %dma_start3A_102 = tpu.memref_slice %arg2[%dma_start3A_99, %dma_start3A_100, %dma_start3A_101] : memref<128x200x4096xf32, #tpu.memory_space<any>> -> memref<1x200x4096xf32, #tpu.memory_space<any>>
    %dma_start3A_103 = tpu.memref_squeeze %dma_start3A_102 : memref<1x200x4096xf32, #tpu.memory_space<any>> -> memref<200x4096xf32, #tpu.memory_space<any>>
    tpu.enqueue_dma source(%arg0 : memref<200x4096xf32, #tpu.memory_space<vmem>>) target(%dma_start3A_103 : memref<200x4096xf32, #tpu.memory_space<any>>) target_semaphore(%arg7 : memref<!tpu.dma_semaphore, #tpu.memory_space<semaphore_mem>>)
    %dma_start3A_104 = arith.constant 21 : i32
    %dma_start3A_105 = arith.constant 0 : i32
    %dma_start3A_106 = arith.constant 0 : i32
    %dma_start3A_107 = tpu.memref_slice %arg2[%dma_start3A_104, %dma_start3A_105, %dma_start3A_106] : memref<128x200x4096xf32, #tpu.memory_space<any>> -> memref<1x200x4096xf32, #tpu.memory_space<any>>
    %dma_start3A_108 = tpu.memref_squeeze %dma_start3A_107 : memref<1x200x4096xf32, #tpu.memory_space<any>> -> memref<200x4096xf32, #tpu.memory_space<any>>
    tpu.enqueue_dma source(%arg0 : memref<200x4096xf32, #tpu.memory_space<vmem>>) target(%dma_start3A_108 : memref<200x4096xf32, #tpu.memory_space<any>>) target_semaphore(%arg8 : memref<!tpu.dma_semaphore, #tpu.memory_space<semaphore_mem>>)
    %dma_start3A_109 = arith.constant 22 : i32
    %dma_start3A_110 = arith.constant 0 : i32
    %dma_start3A_111 = arith.constant 0 : i32
    %dma_start3A_112 = tpu.memref_slice %arg2[%dma_start3A_109, %dma_start3A_110, %dma_start3A_111] : memref<128x200x4096xf32, #tpu.memory_space<any>> -> memref<1x200x4096xf32, #tpu.memory_space<any>>
    %dma_start3A_113 = tpu.memref_squeeze %dma_start3A_112 : memref<1x200x4096xf32, #tpu.memory_space<any>> -> memref<200x4096xf32, #tpu.memory_space<any>>
    tpu.enqueue_dma source(%arg0 : memref<200x4096xf32, #tpu.memory_space<vmem>>) target(%dma_start3A_113 : memref<200x4096xf32, #tpu.memory_space<any>>) target_semaphore(%arg9 : memref<!tpu.dma_semaphore, #tpu.memory_space<semaphore_mem>>)
    %dma_start3A_114 = arith.constant 23 : i32
    %dma_start3A_115 = arith.constant 0 : i32
    %dma_start3A_116 = arith.constant 0 : i32
    %dma_start3A_117 = tpu.memref_slice %arg2[%dma_start3A_114, %dma_start3A_115, %dma_start3A_116] : memref<128x200x4096xf32, #tpu.memory_space<any>> -> memref<1x200x4096xf32, #tpu.memory_space<any>>
    %dma_start3A_118 = tpu.memref_squeeze %dma_start3A_117 : memref<1x200x4096xf32, #tpu.memory_space<any>> -> memref<200x4096xf32, #tpu.memory_space<any>>
    tpu.enqueue_dma source(%arg0 : memref<200x4096xf32, #tpu.memory_space<vmem>>) target(%dma_start3A_118 : memref<200x4096xf32, #tpu.memory_space<any>>) target_semaphore(%arg10 : memref<!tpu.dma_semaphore, #tpu.memory_space<semaphore_mem>>)
    %dma_start3A_119 = arith.constant 24 : i32
    %dma_start3A_120 = arith.constant 0 : i32
    %dma_start3A_121 = arith.constant 0 : i32
    %dma_start3A_122 = tpu.memref_slice %arg2[%dma_start3A_119, %dma_start3A_120, %dma_start3A_121] : memref<128x200x4096xf32, #tpu.memory_space<any>> -> memref<1x200x4096xf32, #tpu.memory_space<any>>
    %dma_start3A_123 = tpu.memref_squeeze %dma_start3A_122 : memref<1x200x4096xf32, #tpu.memory_space<any>> -> memref<200x4096xf32, #tpu.memory_space<any>>
    tpu.enqueue_dma source(%arg0 : memref<200x4096xf32, #tpu.memory_space<vmem>>) target(%dma_start3A_123 : memref<200x4096xf32, #tpu.memory_space<any>>) target_semaphore(%arg3 : memref<!tpu.dma_semaphore, #tpu.memory_space<semaphore_mem>>)
    %dma_start3A_124 = arith.constant 25 : i32
    %dma_start3A_125 = arith.constant 0 : i32
    %dma_start3A_126 = arith.constant 0 : i32
    %dma_start3A_127 = tpu.memref_slice %arg2[%dma_start3A_124, %dma_start3A_125, %dma_start3A_126] : memref<128x200x4096xf32, #tpu.memory_space<any>> -> memref<1x200x4096xf32, #tpu.memory_space<any>>
    %dma_start3A_128 = tpu.memref_squeeze %dma_start3A_127 : memref<1x200x4096xf32, #tpu.memory_space<any>> -> memref<200x4096xf32, #tpu.memory_space<any>>
    tpu.enqueue_dma source(%arg0 : memref<200x4096xf32, #tpu.memory_space<vmem>>) target(%dma_start3A_128 : memref<200x4096xf32, #tpu.memory_space<any>>) target_semaphore(%arg4 : memref<!tpu.dma_semaphore, #tpu.memory_space<semaphore_mem>>)
    %dma_start3A_129 = arith.constant 26 : i32
    %dma_start3A_130 = arith.constant 0 : i32
    %dma_start3A_131 = arith.constant 0 : i32
    %dma_start3A_132 = tpu.memref_slice %arg2[%dma_start3A_129, %dma_start3A_130, %dma_start3A_131] : memref<128x200x4096xf32, #tpu.memory_space<any>> -> memref<1x200x4096xf32, #tpu.memory_space<any>>
    %dma_start3A_133 = tpu.memref_squeeze %dma_start3A_132 : memref<1x200x4096xf32, #tpu.memory_space<any>> -> memref<200x4096xf32, #tpu.memory_space<any>>
    tpu.enqueue_dma source(%arg0 : memref<200x4096xf32, #tpu.memory_space<vmem>>) target(%dma_start3A_133 : memref<200x4096xf32, #tpu.memory_space<any>>) target_semaphore(%arg5 : memref<!tpu.dma_semaphore, #tpu.memory_space<semaphore_mem>>)
    %dma_start3A_134 = arith.constant 27 : i32
    %dma_start3A_135 = arith.constant 0 : i32
    %dma_start3A_136 = arith.constant 0 : i32
    %dma_start3A_137 = tpu.memref_slice %arg2[%dma_start3A_134, %dma_start3A_135, %dma_start3A_136] : memref<128x200x4096xf32, #tpu.memory_space<any>> -> memref<1x200x4096xf32, #tpu.memory_space<any>>
    %dma_start3A_138 = tpu.memref_squeeze %dma_start3A_137 : memref<1x200x4096xf32, #tpu.memory_space<any>> -> memref<200x4096xf32, #tpu.memory_space<any>>
    tpu.enqueue_dma source(%arg0 : memref<200x4096xf32, #tpu.memory_space<vmem>>) target(%dma_start3A_138 : memref<200x4096xf32, #tpu.memory_space<any>>) target_semaphore(%arg6 : memref<!tpu.dma_semaphore, #tpu.memory_space<semaphore_mem>>)
    %dma_start3A_139 = arith.constant 28 : i32
    %dma_start3A_140 = arith.constant 0 : i32
    %dma_start3A_141 = arith.constant 0 : i32
    %dma_start3A_142 = tpu.memref_slice %arg2[%dma_start3A_139, %dma_start3A_140, %dma_start3A_141] : memref<128x200x4096xf32, #tpu.memory_space<any>> -> memref<1x200x4096xf32, #tpu.memory_space<any>>
    %dma_start3A_143 = tpu.memref_squeeze %dma_start3A_142 : memref<1x200x4096xf32, #tpu.memory_space<any>> -> memref<200x4096xf32, #tpu.memory_space<any>>
    tpu.enqueue_dma source(%arg0 : memref<200x4096xf32, #tpu.memory_space<vmem>>) target(%dma_start3A_143 : memref<200x4096xf32, #tpu.memory_space<any>>) target_semaphore(%arg7 : memref<!tpu.dma_semaphore, #tpu.memory_space<semaphore_mem>>)
    %dma_start3A_144 = arith.constant 29 : i32
    %dma_start3A_145 = arith.constant 0 : i32
    %dma_start3A_146 = arith.constant 0 : i32
    %dma_start3A_147 = tpu.memref_slice %arg2[%dma_start3A_144, %dma_start3A_145, %dma_start3A_146] : memref<128x200x4096xf32, #tpu.memory_space<any>> -> memref<1x200x4096xf32, #tpu.memory_space<any>>
    %dma_start3A_148 = tpu.memref_squeeze %dma_start3A_147 : memref<1x200x4096xf32, #tpu.memory_space<any>> -> memref<200x4096xf32, #tpu.memory_space<any>>
    tpu.enqueue_dma source(%arg0 : memref<200x4096xf32, #tpu.memory_space<vmem>>) target(%dma_start3A_148 : memref<200x4096xf32, #tpu.memory_space<any>>) target_semaphore(%arg8 : memref<!tpu.dma_semaphore, #tpu.memory_space<semaphore_mem>>)
    %dma_start3A_149 = arith.constant 30 : i32
    %dma_start3A_150 = arith.constant 0 : i32
    %dma_start3A_151 = arith.constant 0 : i32
    %dma_start3A_152 = tpu.memref_slice %arg2[%dma_start3A_149, %dma_start3A_150, %dma_start3A_151] : memref<128x200x4096xf32, #tpu.memory_space<any>> -> memref<1x200x4096xf32, #tpu.memory_space<any>>
    %dma_start3A_153 = tpu.memref_squeeze %dma_start3A_152 : memref<1x200x4096xf32, #tpu.memory_space<any>> -> memref<200x4096xf32, #tpu.memory_space<any>>
    tpu.enqueue_dma source(%arg0 : memref<200x4096xf32, #tpu.memory_space<vmem>>) target(%dma_start3A_153 : memref<200x4096xf32, #tpu.memory_space<any>>) target_semaphore(%arg9 : memref<!tpu.dma_semaphore, #tpu.memory_space<semaphore_mem>>)
    %dma_start3A_154 = arith.constant 31 : i32
    %dma_start3A_155 = arith.constant 0 : i32
    %dma_start3A_156 = arith.constant 0 : i32
    %dma_start3A_157 = tpu.memref_slice %arg2[%dma_start3A_154, %dma_start3A_155, %dma_start3A_156] : memref<128x200x4096xf32, #tpu.memory_space<any>> -> memref<1x200x4096xf32, #tpu.memory_space<any>>
    %dma_start3A_158 = tpu.memref_squeeze %dma_start3A_157 : memref<1x200x4096xf32, #tpu.memory_space<any>> -> memref<200x4096xf32, #tpu.memory_space<any>>
    tpu.enqueue_dma source(%arg0 : memref<200x4096xf32, #tpu.memory_space<vmem>>) target(%dma_start3A_158 : memref<200x4096xf32, #tpu.memory_space<any>>) target_semaphore(%arg10 : memref<!tpu.dma_semaphore, #tpu.memory_space<semaphore_mem>>)
    %dma_start3A_159 = arith.constant 32 : i32
    %dma_start3A_160 = arith.constant 0 : i32
    %dma_start3A_161 = arith.constant 0 : i32
    %dma_start3A_162 = tpu.memref_slice %arg2[%dma_start3A_159, %dma_start3A_160, %dma_start3A_161] : memref<128x200x4096xf32, #tpu.memory_space<any>> -> memref<1x200x4096xf32, #tpu.memory_space<any>>
    %dma_start3A_163 = tpu.memref_squeeze %dma_start3A_162 : memref<1x200x4096xf32, #tpu.memory_space<any>> -> memref<200x4096xf32, #tpu.memory_space<any>>
    tpu.enqueue_dma source(%arg0 : memref<200x4096xf32, #tpu.memory_space<vmem>>) target(%dma_start3A_163 : memref<200x4096xf32, #tpu.memory_space<any>>) target_semaphore(%arg3 : memref<!tpu.dma_semaphore, #tpu.memory_space<semaphore_mem>>)
    %dma_start3A_164 = arith.constant 33 : i32
    %dma_start3A_165 = arith.constant 0 : i32
    %dma_start3A_166 = arith.constant 0 : i32
    %dma_start3A_167 = tpu.memref_slice %arg2[%dma_start3A_164, %dma_start3A_165, %dma_start3A_166] : memref<128x200x4096xf32, #tpu.memory_space<any>> -> memref<1x200x4096xf32, #tpu.memory_space<any>>
    %dma_start3A_168 = tpu.memref_squeeze %dma_start3A_167 : memref<1x200x4096xf32, #tpu.memory_space<any>> -> memref<200x4096xf32, #tpu.memory_space<any>>
    tpu.enqueue_dma source(%arg0 : memref<200x4096xf32, #tpu.memory_space<vmem>>) target(%dma_start3A_168 : memref<200x4096xf32, #tpu.memory_space<any>>) target_semaphore(%arg4 : memref<!tpu.dma_semaphore, #tpu.memory_space<semaphore_mem>>)
    %dma_start3A_169 = arith.constant 34 : i32
    %dma_start3A_170 = arith.constant 0 : i32
    %dma_start3A_171 = arith.constant 0 : i32
    %dma_start3A_172 = tpu.memref_slice %arg2[%dma_start3A_169, %dma_start3A_170, %dma_start3A_171] : memref<128x200x4096xf32, #tpu.memory_space<any>> -> memref<1x200x4096xf32, #tpu.memory_space<any>>
    %dma_start3A_173 = tpu.memref_squeeze %dma_start3A_172 : memref<1x200x4096xf32, #tpu.memory_space<any>> -> memref<200x4096xf32, #tpu.memory_space<any>>
    tpu.enqueue_dma source(%arg0 : memref<200x4096xf32, #tpu.memory_space<vmem>>) target(%dma_start3A_173 : memref<200x4096xf32, #tpu.memory_space<any>>) target_semaphore(%arg5 : memref<!tpu.dma_semaphore, #tpu.memory_space<semaphore_mem>>)
    %dma_start3A_174 = arith.constant 35 : i32
    %dma_start3A_175 = arith.constant 0 : i32
    %dma_start3A_176 = arith.constant 0 : i32
    %dma_start3A_177 = tpu.memref_slice %arg2[%dma_start3A_174, %dma_start3A_175, %dma_start3A_176] : memref<128x200x4096xf32, #tpu.memory_space<any>> -> memref<1x200x4096xf32, #tpu.memory_space<any>>
    %dma_start3A_178 = tpu.memref_squeeze %dma_start3A_177 : memref<1x200x4096xf32, #tpu.memory_space<any>> -> memref<200x4096xf32, #tpu.memory_space<any>>
    tpu.enqueue_dma source(%arg0 : memref<200x4096xf32, #tpu.memory_space<vmem>>) target(%dma_start3A_178 : memref<200x4096xf32, #tpu.memory_space<any>>) target_semaphore(%arg6 : memref<!tpu.dma_semaphore, #tpu.memory_space<semaphore_mem>>)
    %dma_start3A_179 = arith.constant 36 : i32
    %dma_start3A_180 = arith.constant 0 : i32
    %dma_start3A_181 = arith.constant 0 : i32
    %dma_start3A_182 = tpu.memref_slice %arg2[%dma_start3A_179, %dma_start3A_180, %dma_start3A_181] : memref<128x200x4096xf32, #tpu.memory_space<any>> -> memref<1x200x4096xf32, #tpu.memory_space<any>>
    %dma_start3A_183 = tpu.memref_squeeze %dma_start3A_182 : memref<1x200x4096xf32, #tpu.memory_space<any>> -> memref<200x4096xf32, #tpu.memory_space<any>>
    tpu.enqueue_dma source(%arg0 : memref<200x4096xf32, #tpu.memory_space<vmem>>) target(%dma_start3A_183 : memref<200x4096xf32, #tpu.memory_space<any>>) target_semaphore(%arg7 : memref<!tpu.dma_semaphore, #tpu.memory_space<semaphore_mem>>)
    %dma_start3A_184 = arith.constant 37 : i32
    %dma_start3A_185 = arith.constant 0 : i32
    %dma_start3A_186 = arith.constant 0 : i32
    %dma_start3A_187 = tpu.memref_slice %arg2[%dma_start3A_184, %dma_start3A_185, %dma_start3A_186] : memref<128x200x4096xf32, #tpu.memory_space<any>> -> memref<1x200x4096xf32, #tpu.memory_space<any>>
    %dma_start3A_188 = tpu.memref_squeeze %dma_start3A_187 : memref<1x200x4096xf32, #tpu.memory_space<any>> -> memref<200x4096xf32, #tpu.memory_space<any>>
    tpu.enqueue_dma source(%arg0 : memref<200x4096xf32, #tpu.memory_space<vmem>>) target(%dma_start3A_188 : memref<200x4096xf32, #tpu.memory_space<any>>) target_semaphore(%arg8 : memref<!tpu.dma_semaphore, #tpu.memory_space<semaphore_mem>>)
    %dma_start3A_189 = arith.constant 38 : i32
    %dma_start3A_190 = arith.constant 0 : i32
    %dma_start3A_191 = arith.constant 0 : i32
    %dma_start3A_192 = tpu.memref_slice %arg2[%dma_start3A_189, %dma_start3A_190, %dma_start3A_191] : memref<128x200x4096xf32, #tpu.memory_space<any>> -> memref<1x200x4096xf32, #tpu.memory_space<any>>
    %dma_start3A_193 = tpu.memref_squeeze %dma_start3A_192 : memref<1x200x4096xf32, #tpu.memory_space<any>> -> memref<200x4096xf32, #tpu.memory_space<any>>
    tpu.enqueue_dma source(%arg0 : memref<200x4096xf32, #tpu.memory_space<vmem>>) target(%dma_start3A_193 : memref<200x4096xf32, #tpu.memory_space<any>>) target_semaphore(%arg9 : memref<!tpu.dma_semaphore, #tpu.memory_space<semaphore_mem>>)
    %dma_start3A_194 = arith.constant 39 : i32
    %dma_start3A_195 = arith.constant 0 : i32
    %dma_start3A_196 = arith.constant 0 : i32
    %dma_start3A_197 = tpu.memref_slice %arg2[%dma_start3A_194, %dma_start3A_195, %dma_start3A_196] : memref<128x200x4096xf32, #tpu.memory_space<any>> -> memref<1x200x4096xf32, #tpu.memory_space<any>>
    %dma_start3A_198 = tpu.memref_squeeze %dma_start3A_197 : memref<1x200x4096xf32, #tpu.memory_space<any>> -> memref<200x4096xf32, #tpu.memory_space<any>>
    tpu.enqueue_dma source(%arg0 : memref<200x4096xf32, #tpu.memory_space<vmem>>) target(%dma_start3A_198 : memref<200x4096xf32, #tpu.memory_space<any>>) target_semaphore(%arg10 : memref<!tpu.dma_semaphore, #tpu.memory_space<semaphore_mem>>)
    %dma_start3A_199 = arith.constant 40 : i32
    %dma_start3A_200 = arith.constant 0 : i32
    %dma_start3A_201 = arith.constant 0 : i32
    %dma_start3A_202 = tpu.memref_slice %arg2[%dma_start3A_199, %dma_start3A_200, %dma_start3A_201] : memref<128x200x4096xf32, #tpu.memory_space<any>> -> memref<1x200x4096xf32, #tpu.memory_space<any>>
    %dma_start3A_203 = tpu.memref_squeeze %dma_start3A_202 : memref<1x200x4096xf32, #tpu.memory_space<any>> -> memref<200x4096xf32, #tpu.memory_space<any>>
    tpu.enqueue_dma source(%arg0 : memref<200x4096xf32, #tpu.memory_space<vmem>>) target(%dma_start3A_203 : memref<200x4096xf32, #tpu.memory_space<any>>) target_semaphore(%arg3 : memref<!tpu.dma_semaphore, #tpu.memory_space<semaphore_mem>>)
    %dma_start3A_204 = arith.constant 41 : i32
    %dma_start3A_205 = arith.constant 0 : i32
    %dma_start3A_206 = arith.constant 0 : i32
    %dma_start3A_207 = tpu.memref_slice %arg2[%dma_start3A_204, %dma_start3A_205, %dma_start3A_206] : memref<128x200x4096xf32, #tpu.memory_space<any>> -> memref<1x200x4096xf32, #tpu.memory_space<any>>
    %dma_start3A_208 = tpu.memref_squeeze %dma_start3A_207 : memref<1x200x4096xf32, #tpu.memory_space<any>> -> memref<200x4096xf32, #tpu.memory_space<any>>
    tpu.enqueue_dma source(%arg0 : memref<200x4096xf32, #tpu.memory_space<vmem>>) target(%dma_start3A_208 : memref<200x4096xf32, #tpu.memory_space<any>>) target_semaphore(%arg4 : memref<!tpu.dma_semaphore, #tpu.memory_space<semaphore_mem>>)
    %dma_start3A_209 = arith.constant 42 : i32
    %dma_start3A_210 = arith.constant 0 : i32
    %dma_start3A_211 = arith.constant 0 : i32
    %dma_start3A_212 = tpu.memref_slice %arg2[%dma_start3A_209, %dma_start3A_210, %dma_start3A_211] : memref<128x200x4096xf32, #tpu.memory_space<any>> -> memref<1x200x4096xf32, #tpu.memory_space<any>>
    %dma_start3A_213 = tpu.memref_squeeze %dma_start3A_212 : memref<1x200x4096xf32, #tpu.memory_space<any>> -> memref<200x4096xf32, #tpu.memory_space<any>>
    tpu.enqueue_dma source(%arg0 : memref<200x4096xf32, #tpu.memory_space<vmem>>) target(%dma_start3A_213 : memref<200x4096xf32, #tpu.memory_space<any>>) target_semaphore(%arg5 : memref<!tpu.dma_semaphore, #tpu.memory_space<semaphore_mem>>)
    %dma_start3A_214 = arith.constant 43 : i32
    %dma_start3A_215 = arith.constant 0 : i32
    %dma_start3A_216 = arith.constant 0 : i32
    %dma_start3A_217 = tpu.memref_slice %arg2[%dma_start3A_214, %dma_start3A_215, %dma_start3A_216] : memref<128x200x4096xf32, #tpu.memory_space<any>> -> memref<1x200x4096xf32, #tpu.memory_space<any>>
    %dma_start3A_218 = tpu.memref_squeeze %dma_start3A_217 : memref<1x200x4096xf32, #tpu.memory_space<any>> -> memref<200x4096xf32, #tpu.memory_space<any>>
    tpu.enqueue_dma source(%arg0 : memref<200x4096xf32, #tpu.memory_space<vmem>>) target(%dma_start3A_218 : memref<200x4096xf32, #tpu.memory_space<any>>) target_semaphore(%arg6 : memref<!tpu.dma_semaphore, #tpu.memory_space<semaphore_mem>>)
    %dma_start3A_219 = arith.constant 44 : i32
    %dma_start3A_220 = arith.constant 0 : i32
    %dma_start3A_221 = arith.constant 0 : i32
    %dma_start3A_222 = tpu.memref_slice %arg2[%dma_start3A_219, %dma_start3A_220, %dma_start3A_221] : memref<128x200x4096xf32, #tpu.memory_space<any>> -> memref<1x200x4096xf32, #tpu.memory_space<any>>
    %dma_start3A_223 = tpu.memref_squeeze %dma_start3A_222 : memref<1x200x4096xf32, #tpu.memory_space<any>> -> memref<200x4096xf32, #tpu.memory_space<any>>
    tpu.enqueue_dma source(%arg0 : memref<200x4096xf32, #tpu.memory_space<vmem>>) target(%dma_start3A_223 : memref<200x4096xf32, #tpu.memory_space<any>>) target_semaphore(%arg7 : memref<!tpu.dma_semaphore, #tpu.memory_space<semaphore_mem>>)
    %dma_start3A_224 = arith.constant 45 : i32
    %dma_start3A_225 = arith.constant 0 : i32
    %dma_start3A_226 = arith.constant 0 : i32
    %dma_start3A_227 = tpu.memref_slice %arg2[%dma_start3A_224, %dma_start3A_225, %dma_start3A_226] : memref<128x200x4096xf32, #tpu.memory_space<any>> -> memref<1x200x4096xf32, #tpu.memory_space<any>>
    %dma_start3A_228 = tpu.memref_squeeze %dma_start3A_227 : memref<1x200x4096xf32, #tpu.memory_space<any>> -> memref<200x4096xf32, #tpu.memory_space<any>>
    tpu.enqueue_dma source(%arg0 : memref<200x4096xf32, #tpu.memory_space<vmem>>) target(%dma_start3A_228 : memref<200x4096xf32, #tpu.memory_space<any>>) target_semaphore(%arg8 : memref<!tpu.dma_semaphore, #tpu.memory_space<semaphore_mem>>)
    %dma_start3A_229 = arith.constant 46 : i32
    %dma_start3A_230 = arith.constant 0 : i32
    %dma_start3A_231 = arith.constant 0 : i32
    %dma_start3A_232 = tpu.memref_slice %arg2[%dma_start3A_229, %dma_start3A_230, %dma_start3A_231] : memref<128x200x4096xf32, #tpu.memory_space<any>> -> memref<1x200x4096xf32, #tpu.memory_space<any>>
    %dma_start3A_233 = tpu.memref_squeeze %dma_start3A_232 : memref<1x200x4096xf32, #tpu.memory_space<any>> -> memref<200x4096xf32, #tpu.memory_space<any>>
    tpu.enqueue_dma source(%arg0 : memref<200x4096xf32, #tpu.memory_space<vmem>>) target(%dma_start3A_233 : memref<200x4096xf32, #tpu.memory_space<any>>) target_semaphore(%arg9 : memref<!tpu.dma_semaphore, #tpu.memory_space<semaphore_mem>>)
    %dma_start3A_234 = arith.constant 47 : i32
    %dma_start3A_235 = arith.constant 0 : i32
    %dma_start3A_236 = arith.constant 0 : i32
    %dma_start3A_237 = tpu.memref_slice %arg2[%dma_start3A_234, %dma_start3A_235, %dma_start3A_236] : memref<128x200x4096xf32, #tpu.memory_space<any>> -> memref<1x200x4096xf32, #tpu.memory_space<any>>
    %dma_start3A_238 = tpu.memref_squeeze %dma_start3A_237 : memref<1x200x4096xf32, #tpu.memory_space<any>> -> memref<200x4096xf32, #tpu.memory_space<any>>
    tpu.enqueue_dma source(%arg0 : memref<200x4096xf32, #tpu.memory_space<vmem>>) target(%dma_start3A_238 : memref<200x4096xf32, #tpu.memory_space<any>>) target_semaphore(%arg10 : memref<!tpu.dma_semaphore, #tpu.memory_space<semaphore_mem>>)
    %dma_start3A_239 = arith.constant 48 : i32
    %dma_start3A_240 = arith.constant 0 : i32
    %dma_start3A_241 = arith.constant 0 : i32
    %dma_start3A_242 = tpu.memref_slice %arg2[%dma_start3A_239, %dma_start3A_240, %dma_start3A_241] : memref<128x200x4096xf32, #tpu.memory_space<any>> -> memref<1x200x4096xf32, #tpu.memory_space<any>>
    %dma_start3A_243 = tpu.memref_squeeze %dma_start3A_242 : memref<1x200x4096xf32, #tpu.memory_space<any>> -> memref<200x4096xf32, #tpu.memory_space<any>>
    tpu.enqueue_dma source(%arg0 : memref<200x4096xf32, #tpu.memory_space<vmem>>) target(%dma_start3A_243 : memref<200x4096xf32, #tpu.memory_space<any>>) target_semaphore(%arg3 : memref<!tpu.dma_semaphore, #tpu.memory_space<semaphore_mem>>)
    %dma_start3A_244 = arith.constant 49 : i32
    %dma_start3A_245 = arith.constant 0 : i32
    %dma_start3A_246 = arith.constant 0 : i32
    %dma_start3A_247 = tpu.memref_slice %arg2[%dma_start3A_244, %dma_start3A_245, %dma_start3A_246] : memref<128x200x4096xf32, #tpu.memory_space<any>> -> memref<1x200x4096xf32, #tpu.memory_space<any>>
    %dma_start3A_248 = tpu.memref_squeeze %dma_start3A_247 : memref<1x200x4096xf32, #tpu.memory_space<any>> -> memref<200x4096xf32, #tpu.memory_space<any>>
    tpu.enqueue_dma source(%arg0 : memref<200x4096xf32, #tpu.memory_space<vmem>>) target(%dma_start3A_248 : memref<200x4096xf32, #tpu.memory_space<any>>) target_semaphore(%arg4 : memref<!tpu.dma_semaphore, #tpu.memory_space<semaphore_mem>>)
    %dma_start3A_249 = arith.constant 50 : i32
    %dma_start3A_250 = arith.constant 0 : i32
    %dma_start3A_251 = arith.constant 0 : i32
    %dma_start3A_252 = tpu.memref_slice %arg2[%dma_start3A_249, %dma_start3A_250, %dma_start3A_251] : memref<128x200x4096xf32, #tpu.memory_space<any>> -> memref<1x200x4096xf32, #tpu.memory_space<any>>
    %dma_start3A_253 = tpu.memref_squeeze %dma_start3A_252 : memref<1x200x4096xf32, #tpu.memory_space<any>> -> memref<200x4096xf32, #tpu.memory_space<any>>
    tpu.enqueue_dma source(%arg0 : memref<200x4096xf32, #tpu.memory_space<vmem>>) target(%dma_start3A_253 : memref<200x4096xf32, #tpu.memory_space<any>>) target_semaphore(%arg5 : memref<!tpu.dma_semaphore, #tpu.memory_space<semaphore_mem>>)
    %dma_start3A_254 = arith.constant 51 : i32
    %dma_start3A_255 = arith.constant 0 : i32
    %dma_start3A_256 = arith.constant 0 : i32
    %dma_start3A_257 = tpu.memref_slice %arg2[%dma_start3A_254, %dma_start3A_255, %dma_start3A_256] : memref<128x200x4096xf32, #tpu.memory_space<any>> -> memref<1x200x4096xf32, #tpu.memory_space<any>>
    %dma_start3A_258 = tpu.memref_squeeze %dma_start3A_257 : memref<1x200x4096xf32, #tpu.memory_space<any>> -> memref<200x4096xf32, #tpu.memory_space<any>>
    tpu.enqueue_dma source(%arg0 : memref<200x4096xf32, #tpu.memory_space<vmem>>) target(%dma_start3A_258 : memref<200x4096xf32, #tpu.memory_space<any>>) target_semaphore(%arg6 : memref<!tpu.dma_semaphore, #tpu.memory_space<semaphore_mem>>)
    %dma_start3A_259 = arith.constant 52 : i32
    %dma_start3A_260 = arith.constant 0 : i32
    %dma_start3A_261 = arith.constant 0 : i32
    %dma_start3A_262 = tpu.memref_slice %arg2[%dma_start3A_259, %dma_start3A_260, %dma_start3A_261] : memref<128x200x4096xf32, #tpu.memory_space<any>> -> memref<1x200x4096xf32, #tpu.memory_space<any>>
    %dma_start3A_263 = tpu.memref_squeeze %dma_start3A_262 : memref<1x200x4096xf32, #tpu.memory_space<any>> -> memref<200x4096xf32, #tpu.memory_space<any>>
    tpu.enqueue_dma source(%arg0 : memref<200x4096xf32, #tpu.memory_space<vmem>>) target(%dma_start3A_263 : memref<200x4096xf32, #tpu.memory_space<any>>) target_semaphore(%arg7 : memref<!tpu.dma_semaphore, #tpu.memory_space<semaphore_mem>>)
    %dma_start3A_264 = arith.constant 53 : i32
    %dma_start3A_265 = arith.constant 0 : i32
    %dma_start3A_266 = arith.constant 0 : i32
    %dma_start3A_267 = tpu.memref_slice %arg2[%dma_start3A_264, %dma_start3A_265, %dma_start3A_266] : memref<128x200x4096xf32, #tpu.memory_space<any>> -> memref<1x200x4096xf32, #tpu.memory_space<any>>
    %dma_start3A_268 = tpu.memref_squeeze %dma_start3A_267 : memref<1x200x4096xf32, #tpu.memory_space<any>> -> memref<200x4096xf32, #tpu.memory_space<any>>
    tpu.enqueue_dma source(%arg0 : memref<200x4096xf32, #tpu.memory_space<vmem>>) target(%dma_start3A_268 : memref<200x4096xf32, #tpu.memory_space<any>>) target_semaphore(%arg8 : memref<!tpu.dma_semaphore, #tpu.memory_space<semaphore_mem>>)
    %dma_start3A_269 = arith.constant 54 : i32
    %dma_start3A_270 = arith.constant 0 : i32
    %dma_start3A_271 = arith.constant 0 : i32
    %dma_start3A_272 = tpu.memref_slice %arg2[%dma_start3A_269, %dma_start3A_270, %dma_start3A_271] : memref<128x200x4096xf32, #tpu.memory_space<any>> -> memref<1x200x4096xf32, #tpu.memory_space<any>>
    %dma_start3A_273 = tpu.memref_squeeze %dma_start3A_272 : memref<1x200x4096xf32, #tpu.memory_space<any>> -> memref<200x4096xf32, #tpu.memory_space<any>>
    tpu.enqueue_dma source(%arg0 : memref<200x4096xf32, #tpu.memory_space<vmem>>) target(%dma_start3A_273 : memref<200x4096xf32, #tpu.memory_space<any>>) target_semaphore(%arg9 : memref<!tpu.dma_semaphore, #tpu.memory_space<semaphore_mem>>)
    %dma_start3A_274 = arith.constant 55 : i32
    %dma_start3A_275 = arith.constant 0 : i32
    %dma_start3A_276 = arith.constant 0 : i32
    %dma_start3A_277 = tpu.memref_slice %arg2[%dma_start3A_274, %dma_start3A_275, %dma_start3A_276] : memref<128x200x4096xf32, #tpu.memory_space<any>> -> memref<1x200x4096xf32, #tpu.memory_space<any>>
    %dma_start3A_278 = tpu.memref_squeeze %dma_start3A_277 : memref<1x200x4096xf32, #tpu.memory_space<any>> -> memref<200x4096xf32, #tpu.memory_space<any>>
    tpu.enqueue_dma source(%arg0 : memref<200x4096xf32, #tpu.memory_space<vmem>>) target(%dma_start3A_278 : memref<200x4096xf32, #tpu.memory_space<any>>) target_semaphore(%arg10 : memref<!tpu.dma_semaphore, #tpu.memory_space<semaphore_mem>>)
    %dma_start3A_279 = arith.constant 56 : i32
    %dma_start3A_280 = arith.constant 0 : i32
    %dma_start3A_281 = arith.constant 0 : i32
    %dma_start3A_282 = tpu.memref_slice %arg2[%dma_start3A_279, %dma_start3A_280, %dma_start3A_281] : memref<128x200x4096xf32, #tpu.memory_space<any>> -> memref<1x200x4096xf32, #tpu.memory_space<any>>
    %dma_start3A_283 = tpu.memref_squeeze %dma_start3A_282 : memref<1x200x4096xf32, #tpu.memory_space<any>> -> memref<200x4096xf32, #tpu.memory_space<any>>
    tpu.enqueue_dma source(%arg0 : memref<200x4096xf32, #tpu.memory_space<vmem>>) target(%dma_start3A_283 : memref<200x4096xf32, #tpu.memory_space<any>>) target_semaphore(%arg3 : memref<!tpu.dma_semaphore, #tpu.memory_space<semaphore_mem>>)
    %dma_start3A_284 = arith.constant 57 : i32
    %dma_start3A_285 = arith.constant 0 : i32
    %dma_start3A_286 = arith.constant 0 : i32
    %dma_start3A_287 = tpu.memref_slice %arg2[%dma_start3A_284, %dma_start3A_285, %dma_start3A_286] : memref<128x200x4096xf32, #tpu.memory_space<any>> -> memref<1x200x4096xf32, #tpu.memory_space<any>>
    %dma_start3A_288 = tpu.memref_squeeze %dma_start3A_287 : memref<1x200x4096xf32, #tpu.memory_space<any>> -> memref<200x4096xf32, #tpu.memory_space<any>>
    tpu.enqueue_dma source(%arg0 : memref<200x4096xf32, #tpu.memory_space<vmem>>) target(%dma_start3A_288 : memref<200x4096xf32, #tpu.memory_space<any>>) target_semaphore(%arg4 : memref<!tpu.dma_semaphore, #tpu.memory_space<semaphore_mem>>)
    %dma_start3A_289 = arith.constant 58 : i32
    %dma_start3A_290 = arith.constant 0 : i32
    %dma_start3A_291 = arith.constant 0 : i32
    %dma_start3A_292 = tpu.memref_slice %arg2[%dma_start3A_289, %dma_start3A_290, %dma_start3A_291] : memref<128x200x4096xf32, #tpu.memory_space<any>> -> memref<1x200x4096xf32, #tpu.memory_space<any>>
    %dma_start3A_293 = tpu.memref_squeeze %dma_start3A_292 : memref<1x200x4096xf32, #tpu.memory_space<any>> -> memref<200x4096xf32, #tpu.memory_space<any>>
    tpu.enqueue_dma source(%arg0 : memref<200x4096xf32, #tpu.memory_space<vmem>>) target(%dma_start3A_293 : memref<200x4096xf32, #tpu.memory_space<any>>) target_semaphore(%arg5 : memref<!tpu.dma_semaphore, #tpu.memory_space<semaphore_mem>>)
    %dma_start3A_294 = arith.constant 59 : i32
    %dma_start3A_295 = arith.constant 0 : i32
    %dma_start3A_296 = arith.constant 0 : i32
    %dma_start3A_297 = tpu.memref_slice %arg2[%dma_start3A_294, %dma_start3A_295, %dma_start3A_296] : memref<128x200x4096xf32, #tpu.memory_space<any>> -> memref<1x200x4096xf32, #tpu.memory_space<any>>
    %dma_start3A_298 = tpu.memref_squeeze %dma_start3A_297 : memref<1x200x4096xf32, #tpu.memory_space<any>> -> memref<200x4096xf32, #tpu.memory_space<any>>
    tpu.enqueue_dma source(%arg0 : memref<200x4096xf32, #tpu.memory_space<vmem>>) target(%dma_start3A_298 : memref<200x4096xf32, #tpu.memory_space<any>>) target_semaphore(%arg6 : memref<!tpu.dma_semaphore, #tpu.memory_space<semaphore_mem>>)
    %dma_start3A_299 = arith.constant 60 : i32
    %dma_start3A_300 = arith.constant 0 : i32
    %dma_start3A_301 = arith.constant 0 : i32
    %dma_start3A_302 = tpu.memref_slice %arg2[%dma_start3A_299, %dma_start3A_300, %dma_start3A_301] : memref<128x200x4096xf32, #tpu.memory_space<any>> -> memref<1x200x4096xf32, #tpu.memory_space<any>>
    %dma_start3A_303 = tpu.memref_squeeze %dma_start3A_302 : memref<1x200x4096xf32, #tpu.memory_space<any>> -> memref<200x4096xf32, #tpu.memory_space<any>>
    tpu.enqueue_dma source(%arg0 : memref<200x4096xf32, #tpu.memory_space<vmem>>) target(%dma_start3A_303 : memref<200x4096xf32, #tpu.memory_space<any>>) target_semaphore(%arg7 : memref<!tpu.dma_semaphore, #tpu.memory_space<semaphore_mem>>)
    %dma_start3A_304 = arith.constant 61 : i32
    %dma_start3A_305 = arith.constant 0 : i32
    %dma_start3A_306 = arith.constant 0 : i32
    %dma_start3A_307 = tpu.memref_slice %arg2[%dma_start3A_304, %dma_start3A_305, %dma_start3A_306] : memref<128x200x4096xf32, #tpu.memory_space<any>> -> memref<1x200x4096xf32, #tpu.memory_space<any>>
    %dma_start3A_308 = tpu.memref_squeeze %dma_start3A_307 : memref<1x200x4096xf32, #tpu.memory_space<any>> -> memref<200x4096xf32, #tpu.memory_space<any>>
    tpu.enqueue_dma source(%arg0 : memref<200x4096xf32, #tpu.memory_space<vmem>>) target(%dma_start3A_308 : memref<200x4096xf32, #tpu.memory_space<any>>) target_semaphore(%arg8 : memref<!tpu.dma_semaphore, #tpu.memory_space<semaphore_mem>>)
    %dma_start3A_309 = arith.constant 62 : i32
    %dma_start3A_310 = arith.constant 0 : i32
    %dma_start3A_311 = arith.constant 0 : i32
    %dma_start3A_312 = tpu.memref_slice %arg2[%dma_start3A_309, %dma_start3A_310, %dma_start3A_311] : memref<128x200x4096xf32, #tpu.memory_space<any>> -> memref<1x200x4096xf32, #tpu.memory_space<any>>
    %dma_start3A_313 = tpu.memref_squeeze %dma_start3A_312 : memref<1x200x4096xf32, #tpu.memory_space<any>> -> memref<200x4096xf32, #tpu.memory_space<any>>
    tpu.enqueue_dma source(%arg0 : memref<200x4096xf32, #tpu.memory_space<vmem>>) target(%dma_start3A_313 : memref<200x4096xf32, #tpu.memory_space<any>>) target_semaphore(%arg9 : memref<!tpu.dma_semaphore, #tpu.memory_space<semaphore_mem>>)
    %dma_start3A_314 = arith.constant 63 : i32
    %dma_start3A_315 = arith.constant 0 : i32
    %dma_start3A_316 = arith.constant 0 : i32
    %dma_start3A_317 = tpu.memref_slice %arg2[%dma_start3A_314, %dma_start3A_315, %dma_start3A_316] : memref<128x200x4096xf32, #tpu.memory_space<any>> -> memref<1x200x4096xf32, #tpu.memory_space<any>>
    %dma_start3A_318 = tpu.memref_squeeze %dma_start3A_317 : memref<1x200x4096xf32, #tpu.memory_space<any>> -> memref<200x4096xf32, #tpu.memory_space<any>>
    tpu.enqueue_dma source(%arg0 : memref<200x4096xf32, #tpu.memory_space<vmem>>) target(%dma_start3A_318 : memref<200x4096xf32, #tpu.memory_space<any>>) target_semaphore(%arg10 : memref<!tpu.dma_semaphore, #tpu.memory_space<semaphore_mem>>)
    %dma_start3A_319 = arith.constant 64 : i32
    %dma_start3A_320 = arith.constant 0 : i32
    %dma_start3A_321 = arith.constant 0 : i32
    %dma_start3A_322 = tpu.memref_slice %arg2[%dma_start3A_319, %dma_start3A_320, %dma_start3A_321] : memref<128x200x4096xf32, #tpu.memory_space<any>> -> memref<1x200x4096xf32, #tpu.memory_space<any>>
    %dma_start3A_323 = tpu.memref_squeeze %dma_start3A_322 : memref<1x200x4096xf32, #tpu.memory_space<any>> -> memref<200x4096xf32, #tpu.memory_space<any>>
    tpu.enqueue_dma source(%arg0 : memref<200x4096xf32, #tpu.memory_space<vmem>>) target(%dma_start3A_323 : memref<200x4096xf32, #tpu.memory_space<any>>) target_semaphore(%arg3 : memref<!tpu.dma_semaphore, #tpu.memory_space<semaphore_mem>>)
    %dma_start3A_324 = arith.constant 65 : i32
    %dma_start3A_325 = arith.constant 0 : i32
    %dma_start3A_326 = arith.constant 0 : i32
    %dma_start3A_327 = tpu.memref_slice %arg2[%dma_start3A_324, %dma_start3A_325, %dma_start3A_326] : memref<128x200x4096xf32, #tpu.memory_space<any>> -> memref<1x200x4096xf32, #tpu.memory_space<any>>
    %dma_start3A_328 = tpu.memref_squeeze %dma_start3A_327 : memref<1x200x4096xf32, #tpu.memory_space<any>> -> memref<200x4096xf32, #tpu.memory_space<any>>
    tpu.enqueue_dma source(%arg0 : memref<200x4096xf32, #tpu.memory_space<vmem>>) target(%dma_start3A_328 : memref<200x4096xf32, #tpu.memory_space<any>>) target_semaphore(%arg4 : memref<!tpu.dma_semaphore, #tpu.memory_space<semaphore_mem>>)
    %dma_start3A_329 = arith.constant 66 : i32
    %dma_start3A_330 = arith.constant 0 : i32
    %dma_start3A_331 = arith.constant 0 : i32
    %dma_start3A_332 = tpu.memref_slice %arg2[%dma_start3A_329, %dma_start3A_330, %dma_start3A_331] : memref<128x200x4096xf32, #tpu.memory_space<any>> -> memref<1x200x4096xf32, #tpu.memory_space<any>>
    %dma_start3A_333 = tpu.memref_squeeze %dma_start3A_332 : memref<1x200x4096xf32, #tpu.memory_space<any>> -> memref<200x4096xf32, #tpu.memory_space<any>>
    tpu.enqueue_dma source(%arg0 : memref<200x4096xf32, #tpu.memory_space<vmem>>) target(%dma_start3A_333 : memref<200x4096xf32, #tpu.memory_space<any>>) target_semaphore(%arg5 : memref<!tpu.dma_semaphore, #tpu.memory_space<semaphore_mem>>)
    %dma_start3A_334 = arith.constant 67 : i32
    %dma_start3A_335 = arith.constant 0 : i32
    %dma_start3A_336 = arith.constant 0 : i32
    %dma_start3A_337 = tpu.memref_slice %arg2[%dma_start3A_334, %dma_start3A_335, %dma_start3A_336] : memref<128x200x4096xf32, #tpu.memory_space<any>> -> memref<1x200x4096xf32, #tpu.memory_space<any>>
    %dma_start3A_338 = tpu.memref_squeeze %dma_start3A_337 : memref<1x200x4096xf32, #tpu.memory_space<any>> -> memref<200x4096xf32, #tpu.memory_space<any>>
    tpu.enqueue_dma source(%arg0 : memref<200x4096xf32, #tpu.memory_space<vmem>>) target(%dma_start3A_338 : memref<200x4096xf32, #tpu.memory_space<any>>) target_semaphore(%arg6 : memref<!tpu.dma_semaphore, #tpu.memory_space<semaphore_mem>>)
    %dma_start3A_339 = arith.constant 68 : i32
    %dma_start3A_340 = arith.constant 0 : i32
    %dma_start3A_341 = arith.constant 0 : i32
    %dma_start3A_342 = tpu.memref_slice %arg2[%dma_start3A_339, %dma_start3A_340, %dma_start3A_341] : memref<128x200x4096xf32, #tpu.memory_space<any>> -> memref<1x200x4096xf32, #tpu.memory_space<any>>
    %dma_start3A_343 = tpu.memref_squeeze %dma_start3A_342 : memref<1x200x4096xf32, #tpu.memory_space<any>> -> memref<200x4096xf32, #tpu.memory_space<any>>
    tpu.enqueue_dma source(%arg0 : memref<200x4096xf32, #tpu.memory_space<vmem>>) target(%dma_start3A_343 : memref<200x4096xf32, #tpu.memory_space<any>>) target_semaphore(%arg7 : memref<!tpu.dma_semaphore, #tpu.memory_space<semaphore_mem>>)
    %dma_start3A_344 = arith.constant 69 : i32
    %dma_start3A_345 = arith.constant 0 : i32
    %dma_start3A_346 = arith.constant 0 : i32
    %dma_start3A_347 = tpu.memref_slice %arg2[%dma_start3A_344, %dma_start3A_345, %dma_start3A_346] : memref<128x200x4096xf32, #tpu.memory_space<any>> -> memref<1x200x4096xf32, #tpu.memory_space<any>>
    %dma_start3A_348 = tpu.memref_squeeze %dma_start3A_347 : memref<1x200x4096xf32, #tpu.memory_space<any>> -> memref<200x4096xf32, #tpu.memory_space<any>>
    tpu.enqueue_dma source(%arg0 : memref<200x4096xf32, #tpu.memory_space<vmem>>) target(%dma_start3A_348 : memref<200x4096xf32, #tpu.memory_space<any>>) target_semaphore(%arg8 : memref<!tpu.dma_semaphore, #tpu.memory_space<semaphore_mem>>)
    %dma_start3A_349 = arith.constant 70 : i32
    %dma_start3A_350 = arith.constant 0 : i32
    %dma_start3A_351 = arith.constant 0 : i32
    %dma_start3A_352 = tpu.memref_slice %arg2[%dma_start3A_349, %dma_start3A_350, %dma_start3A_351] : memref<128x200x4096xf32, #tpu.memory_space<any>> -> memref<1x200x4096xf32, #tpu.memory_space<any>>
    %dma_start3A_353 = tpu.memref_squeeze %dma_start3A_352 : memref<1x200x4096xf32, #tpu.memory_space<any>> -> memref<200x4096xf32, #tpu.memory_space<any>>
    tpu.enqueue_dma source(%arg0 : memref<200x4096xf32, #tpu.memory_space<vmem>>) target(%dma_start3A_353 : memref<200x4096xf32, #tpu.memory_space<any>>) target_semaphore(%arg9 : memref<!tpu.dma_semaphore, #tpu.memory_space<semaphore_mem>>)
    %dma_start3A_354 = arith.constant 71 : i32
    %dma_start3A_355 = arith.constant 0 : i32
    %dma_start3A_356 = arith.constant 0 : i32
    %dma_start3A_357 = tpu.memref_slice %arg2[%dma_start3A_354, %dma_start3A_355, %dma_start3A_356] : memref<128x200x4096xf32, #tpu.memory_space<any>> -> memref<1x200x4096xf32, #tpu.memory_space<any>>
    %dma_start3A_358 = tpu.memref_squeeze %dma_start3A_357 : memref<1x200x4096xf32, #tpu.memory_space<any>> -> memref<200x4096xf32, #tpu.memory_space<any>>
    tpu.enqueue_dma source(%arg0 : memref<200x4096xf32, #tpu.memory_space<vmem>>) target(%dma_start3A_358 : memref<200x4096xf32, #tpu.memory_space<any>>) target_semaphore(%arg10 : memref<!tpu.dma_semaphore, #tpu.memory_space<semaphore_mem>>)
    %dma_start3A_359 = arith.constant 72 : i32
    %dma_start3A_360 = arith.constant 0 : i32
    %dma_start3A_361 = arith.constant 0 : i32
    %dma_start3A_362 = tpu.memref_slice %arg2[%dma_start3A_359, %dma_start3A_360, %dma_start3A_361] : memref<128x200x4096xf32, #tpu.memory_space<any>> -> memref<1x200x4096xf32, #tpu.memory_space<any>>
    %dma_start3A_363 = tpu.memref_squeeze %dma_start3A_362 : memref<1x200x4096xf32, #tpu.memory_space<any>> -> memref<200x4096xf32, #tpu.memory_space<any>>
    tpu.enqueue_dma source(%arg0 : memref<200x4096xf32, #tpu.memory_space<vmem>>) target(%dma_start3A_363 : memref<200x4096xf32, #tpu.memory_space<any>>) target_semaphore(%arg3 : memref<!tpu.dma_semaphore, #tpu.memory_space<semaphore_mem>>)
    %dma_start3A_364 = arith.constant 73 : i32
    %dma_start3A_365 = arith.constant 0 : i32
    %dma_start3A_366 = arith.constant 0 : i32
    %dma_start3A_367 = tpu.memref_slice %arg2[%dma_start3A_364, %dma_start3A_365, %dma_start3A_366] : memref<128x200x4096xf32, #tpu.memory_space<any>> -> memref<1x200x4096xf32, #tpu.memory_space<any>>
    %dma_start3A_368 = tpu.memref_squeeze %dma_start3A_367 : memref<1x200x4096xf32, #tpu.memory_space<any>> -> memref<200x4096xf32, #tpu.memory_space<any>>
    tpu.enqueue_dma source(%arg0 : memref<200x4096xf32, #tpu.memory_space<vmem>>) target(%dma_start3A_368 : memref<200x4096xf32, #tpu.memory_space<any>>) target_semaphore(%arg4 : memref<!tpu.dma_semaphore, #tpu.memory_space<semaphore_mem>>)
    %dma_start3A_369 = arith.constant 74 : i32
    %dma_start3A_370 = arith.constant 0 : i32
    %dma_start3A_371 = arith.constant 0 : i32
    %dma_start3A_372 = tpu.memref_slice %arg2[%dma_start3A_369, %dma_start3A_370, %dma_start3A_371] : memref<128x200x4096xf32, #tpu.memory_space<any>> -> memref<1x200x4096xf32, #tpu.memory_space<any>>
    %dma_start3A_373 = tpu.memref_squeeze %dma_start3A_372 : memref<1x200x4096xf32, #tpu.memory_space<any>> -> memref<200x4096xf32, #tpu.memory_space<any>>
    tpu.enqueue_dma source(%arg0 : memref<200x4096xf32, #tpu.memory_space<vmem>>) target(%dma_start3A_373 : memref<200x4096xf32, #tpu.memory_space<any>>) target_semaphore(%arg5 : memref<!tpu.dma_semaphore, #tpu.memory_space<semaphore_mem>>)
    %dma_start3A_374 = arith.constant 75 : i32
    %dma_start3A_375 = arith.constant 0 : i32
    %dma_start3A_376 = arith.constant 0 : i32
    %dma_start3A_377 = tpu.memref_slice %arg2[%dma_start3A_374, %dma_start3A_375, %dma_start3A_376] : memref<128x200x4096xf32, #tpu.memory_space<any>> -> memref<1x200x4096xf32, #tpu.memory_space<any>>
    %dma_start3A_378 = tpu.memref_squeeze %dma_start3A_377 : memref<1x200x4096xf32, #tpu.memory_space<any>> -> memref<200x4096xf32, #tpu.memory_space<any>>
    tpu.enqueue_dma source(%arg0 : memref<200x4096xf32, #tpu.memory_space<vmem>>) target(%dma_start3A_378 : memref<200x4096xf32, #tpu.memory_space<any>>) target_semaphore(%arg6 : memref<!tpu.dma_semaphore, #tpu.memory_space<semaphore_mem>>)
    %dma_start3A_379 = arith.constant 76 : i32
    %dma_start3A_380 = arith.constant 0 : i32
    %dma_start3A_381 = arith.constant 0 : i32
    %dma_start3A_382 = tpu.memref_slice %arg2[%dma_start3A_379, %dma_start3A_380, %dma_start3A_381] : memref<128x200x4096xf32, #tpu.memory_space<any>> -> memref<1x200x4096xf32, #tpu.memory_space<any>>
    %dma_start3A_383 = tpu.memref_squeeze %dma_start3A_382 : memref<1x200x4096xf32, #tpu.memory_space<any>> -> memref<200x4096xf32, #tpu.memory_space<any>>
    tpu.enqueue_dma source(%arg0 : memref<200x4096xf32, #tpu.memory_space<vmem>>) target(%dma_start3A_383 : memref<200x4096xf32, #tpu.memory_space<any>>) target_semaphore(%arg7 : memref<!tpu.dma_semaphore, #tpu.memory_space<semaphore_mem>>)
    %dma_start3A_384 = arith.constant 77 : i32
    %dma_start3A_385 = arith.constant 0 : i32
    %dma_start3A_386 = arith.constant 0 : i32
    %dma_start3A_387 = tpu.memref_slice %arg2[%dma_start3A_384, %dma_start3A_385, %dma_start3A_386] : memref<128x200x4096xf32, #tpu.memory_space<any>> -> memref<1x200x4096xf32, #tpu.memory_space<any>>
    %dma_start3A_388 = tpu.memref_squeeze %dma_start3A_387 : memref<1x200x4096xf32, #tpu.memory_space<any>> -> memref<200x4096xf32, #tpu.memory_space<any>>
    tpu.enqueue_dma source(%arg0 : memref<200x4096xf32, #tpu.memory_space<vmem>>) target(%dma_start3A_388 : memref<200x4096xf32, #tpu.memory_space<any>>) target_semaphore(%arg8 : memref<!tpu.dma_semaphore, #tpu.memory_space<semaphore_mem>>)
    %dma_start3A_389 = arith.constant 78 : i32
    %dma_start3A_390 = arith.constant 0 : i32
    %dma_start3A_391 = arith.constant 0 : i32
    %dma_start3A_392 = tpu.memref_slice %arg2[%dma_start3A_389, %dma_start3A_390, %dma_start3A_391] : memref<128x200x4096xf32, #tpu.memory_space<any>> -> memref<1x200x4096xf32, #tpu.memory_space<any>>
    %dma_start3A_393 = tpu.memref_squeeze %dma_start3A_392 : memref<1x200x4096xf32, #tpu.memory_space<any>> -> memref<200x4096xf32, #tpu.memory_space<any>>
    tpu.enqueue_dma source(%arg0 : memref<200x4096xf32, #tpu.memory_space<vmem>>) target(%dma_start3A_393 : memref<200x4096xf32, #tpu.memory_space<any>>) target_semaphore(%arg9 : memref<!tpu.dma_semaphore, #tpu.memory_space<semaphore_mem>>)
    %dma_start3A_394 = arith.constant 79 : i32
    %dma_start3A_395 = arith.constant 0 : i32
    %dma_start3A_396 = arith.constant 0 : i32
    %dma_start3A_397 = tpu.memref_slice %arg2[%dma_start3A_394, %dma_start3A_395, %dma_start3A_396] : memref<128x200x4096xf32, #tpu.memory_space<any>> -> memref<1x200x4096xf32, #tpu.memory_space<any>>
    %dma_start3A_398 = tpu.memref_squeeze %dma_start3A_397 : memref<1x200x4096xf32, #tpu.memory_space<any>> -> memref<200x4096xf32, #tpu.memory_space<any>>
    tpu.enqueue_dma source(%arg0 : memref<200x4096xf32, #tpu.memory_space<vmem>>) target(%dma_start3A_398 : memref<200x4096xf32, #tpu.memory_space<any>>) target_semaphore(%arg10 : memref<!tpu.dma_semaphore, #tpu.memory_space<semaphore_mem>>)
    %dma_start3A_399 = arith.constant 80 : i32
    %dma_start3A_400 = arith.constant 0 : i32
    %dma_start3A_401 = arith.constant 0 : i32
    %dma_start3A_402 = tpu.memref_slice %arg2[%dma_start3A_399, %dma_start3A_400, %dma_start3A_401] : memref<128x200x4096xf32, #tpu.memory_space<any>> -> memref<1x200x4096xf32, #tpu.memory_space<any>>
    %dma_start3A_403 = tpu.memref_squeeze %dma_start3A_402 : memref<1x200x4096xf32, #tpu.memory_space<any>> -> memref<200x4096xf32, #tpu.memory_space<any>>
    tpu.enqueue_dma source(%arg0 : memref<200x4096xf32, #tpu.memory_space<vmem>>) target(%dma_start3A_403 : memref<200x4096xf32, #tpu.memory_space<any>>) target_semaphore(%arg3 : memref<!tpu.dma_semaphore, #tpu.memory_space<semaphore_mem>>)
    %dma_start3A_404 = arith.constant 81 : i32
    %dma_start3A_405 = arith.constant 0 : i32
    %dma_start3A_406 = arith.constant 0 : i32
    %dma_start3A_407 = tpu.memref_slice %arg2[%dma_start3A_404, %dma_start3A_405, %dma_start3A_406] : memref<128x200x4096xf32, #tpu.memory_space<any>> -> memref<1x200x4096xf32, #tpu.memory_space<any>>
    %dma_start3A_408 = tpu.memref_squeeze %dma_start3A_407 : memref<1x200x4096xf32, #tpu.memory_space<any>> -> memref<200x4096xf32, #tpu.memory_space<any>>
    tpu.enqueue_dma source(%arg0 : memref<200x4096xf32, #tpu.memory_space<vmem>>) target(%dma_start3A_408 : memref<200x4096xf32, #tpu.memory_space<any>>) target_semaphore(%arg4 : memref<!tpu.dma_semaphore, #tpu.memory_space<semaphore_mem>>)
    %dma_start3A_409 = arith.constant 82 : i32
    %dma_start3A_410 = arith.constant 0 : i32
    %dma_start3A_411 = arith.constant 0 : i32
    %dma_start3A_412 = tpu.memref_slice %arg2[%dma_start3A_409, %dma_start3A_410, %dma_start3A_411] : memref<128x200x4096xf32, #tpu.memory_space<any>> -> memref<1x200x4096xf32, #tpu.memory_space<any>>
    %dma_start3A_413 = tpu.memref_squeeze %dma_start3A_412 : memref<1x200x4096xf32, #tpu.memory_space<any>> -> memref<200x4096xf32, #tpu.memory_space<any>>
    tpu.enqueue_dma source(%arg0 : memref<200x4096xf32, #tpu.memory_space<vmem>>) target(%dma_start3A_413 : memref<200x4096xf32, #tpu.memory_space<any>>) target_semaphore(%arg5 : memref<!tpu.dma_semaphore, #tpu.memory_space<semaphore_mem>>)
    %dma_start3A_414 = arith.constant 83 : i32
    %dma_start3A_415 = arith.constant 0 : i32
    %dma_start3A_416 = arith.constant 0 : i32
    %dma_start3A_417 = tpu.memref_slice %arg2[%dma_start3A_414, %dma_start3A_415, %dma_start3A_416] : memref<128x200x4096xf32, #tpu.memory_space<any>> -> memref<1x200x4096xf32, #tpu.memory_space<any>>
    %dma_start3A_418 = tpu.memref_squeeze %dma_start3A_417 : memref<1x200x4096xf32, #tpu.memory_space<any>> -> memref<200x4096xf32, #tpu.memory_space<any>>
    tpu.enqueue_dma source(%arg0 : memref<200x4096xf32, #tpu.memory_space<vmem>>) target(%dma_start3A_418 : memref<200x4096xf32, #tpu.memory_space<any>>) target_semaphore(%arg6 : memref<!tpu.dma_semaphore, #tpu.memory_space<semaphore_mem>>)
    %dma_start3A_419 = arith.constant 84 : i32
    %dma_start3A_420 = arith.constant 0 : i32
    %dma_start3A_421 = arith.constant 0 : i32
    %dma_start3A_422 = tpu.memref_slice %arg2[%dma_start3A_419, %dma_start3A_420, %dma_start3A_421] : memref<128x200x4096xf32, #tpu.memory_space<any>> -> memref<1x200x4096xf32, #tpu.memory_space<any>>
    %dma_start3A_423 = tpu.memref_squeeze %dma_start3A_422 : memref<1x200x4096xf32, #tpu.memory_space<any>> -> memref<200x4096xf32, #tpu.memory_space<any>>
    tpu.enqueue_dma source(%arg0 : memref<200x4096xf32, #tpu.memory_space<vmem>>) target(%dma_start3A_423 : memref<200x4096xf32, #tpu.memory_space<any>>) target_semaphore(%arg7 : memref<!tpu.dma_semaphore, #tpu.memory_space<semaphore_mem>>)
    %dma_start3A_424 = arith.constant 85 : i32
    %dma_start3A_425 = arith.constant 0 : i32
    %dma_start3A_426 = arith.constant 0 : i32
    %dma_start3A_427 = tpu.memref_slice %arg2[%dma_start3A_424, %dma_start3A_425, %dma_start3A_426] : memref<128x200x4096xf32, #tpu.memory_space<any>> -> memref<1x200x4096xf32, #tpu.memory_space<any>>
    %dma_start3A_428 = tpu.memref_squeeze %dma_start3A_427 : memref<1x200x4096xf32, #tpu.memory_space<any>> -> memref<200x4096xf32, #tpu.memory_space<any>>
    tpu.enqueue_dma source(%arg0 : memref<200x4096xf32, #tpu.memory_space<vmem>>) target(%dma_start3A_428 : memref<200x4096xf32, #tpu.memory_space<any>>) target_semaphore(%arg8 : memref<!tpu.dma_semaphore, #tpu.memory_space<semaphore_mem>>)
    %dma_start3A_429 = arith.constant 86 : i32
    %dma_start3A_430 = arith.constant 0 : i32
    %dma_start3A_431 = arith.constant 0 : i32
    %dma_start3A_432 = tpu.memref_slice %arg2[%dma_start3A_429, %dma_start3A_430, %dma_start3A_431] : memref<128x200x4096xf32, #tpu.memory_space<any>> -> memref<1x200x4096xf32, #tpu.memory_space<any>>
    %dma_start3A_433 = tpu.memref_squeeze %dma_start3A_432 : memref<1x200x4096xf32, #tpu.memory_space<any>> -> memref<200x4096xf32, #tpu.memory_space<any>>
    tpu.enqueue_dma source(%arg0 : memref<200x4096xf32, #tpu.memory_space<vmem>>) target(%dma_start3A_433 : memref<200x4096xf32, #tpu.memory_space<any>>) target_semaphore(%arg9 : memref<!tpu.dma_semaphore, #tpu.memory_space<semaphore_mem>>)
    %dma_start3A_434 = arith.constant 87 : i32
    %dma_start3A_435 = arith.constant 0 : i32
    %dma_start3A_436 = arith.constant 0 : i32
    %dma_start3A_437 = tpu.memref_slice %arg2[%dma_start3A_434, %dma_start3A_435, %dma_start3A_436] : memref<128x200x4096xf32, #tpu.memory_space<any>> -> memref<1x200x4096xf32, #tpu.memory_space<any>>
    %dma_start3A_438 = tpu.memref_squeeze %dma_start3A_437 : memref<1x200x4096xf32, #tpu.memory_space<any>> -> memref<200x4096xf32, #tpu.memory_space<any>>
    tpu.enqueue_dma source(%arg0 : memref<200x4096xf32, #tpu.memory_space<vmem>>) target(%dma_start3A_438 : memref<200x4096xf32, #tpu.memory_space<any>>) target_semaphore(%arg10 : memref<!tpu.dma_semaphore, #tpu.memory_space<semaphore_mem>>)
    %dma_start3A_439 = arith.constant 88 : i32
    %dma_start3A_440 = arith.constant 0 : i32
    %dma_start3A_441 = arith.constant 0 : i32
    %dma_start3A_442 = tpu.memref_slice %arg2[%dma_start3A_439, %dma_start3A_440, %dma_start3A_441] : memref<128x200x4096xf32, #tpu.memory_space<any>> -> memref<1x200x4096xf32, #tpu.memory_space<any>>
    %dma_start3A_443 = tpu.memref_squeeze %dma_start3A_442 : memref<1x200x4096xf32, #tpu.memory_space<any>> -> memref<200x4096xf32, #tpu.memory_space<any>>
    tpu.enqueue_dma source(%arg0 : memref<200x4096xf32, #tpu.memory_space<vmem>>) target(%dma_start3A_443 : memref<200x4096xf32, #tpu.memory_space<any>>) target_semaphore(%arg3 : memref<!tpu.dma_semaphore, #tpu.memory_space<semaphore_mem>>)
    %dma_start3A_444 = arith.constant 89 : i32
    %dma_start3A_445 = arith.constant 0 : i32
    %dma_start3A_446 = arith.constant 0 : i32
    %dma_start3A_447 = tpu.memref_slice %arg2[%dma_start3A_444, %dma_start3A_445, %dma_start3A_446] : memref<128x200x4096xf32, #tpu.memory_space<any>> -> memref<1x200x4096xf32, #tpu.memory_space<any>>
    %dma_start3A_448 = tpu.memref_squeeze %dma_start3A_447 : memref<1x200x4096xf32, #tpu.memory_space<any>> -> memref<200x4096xf32, #tpu.memory_space<any>>
    tpu.enqueue_dma source(%arg0 : memref<200x4096xf32, #tpu.memory_space<vmem>>) target(%dma_start3A_448 : memref<200x4096xf32, #tpu.memory_space<any>>) target_semaphore(%arg4 : memref<!tpu.dma_semaphore, #tpu.memory_space<semaphore_mem>>)
    %dma_start3A_449 = arith.constant 90 : i32
    %dma_start3A_450 = arith.constant 0 : i32
    %dma_start3A_451 = arith.constant 0 : i32
    %dma_start3A_452 = tpu.memref_slice %arg2[%dma_start3A_449, %dma_start3A_450, %dma_start3A_451] : memref<128x200x4096xf32, #tpu.memory_space<any>> -> memref<1x200x4096xf32, #tpu.memory_space<any>>
    %dma_start3A_453 = tpu.memref_squeeze %dma_start3A_452 : memref<1x200x4096xf32, #tpu.memory_space<any>> -> memref<200x4096xf32, #tpu.memory_space<any>>
    tpu.enqueue_dma source(%arg0 : memref<200x4096xf32, #tpu.memory_space<vmem>>) target(%dma_start3A_453 : memref<200x4096xf32, #tpu.memory_space<any>>) target_semaphore(%arg5 : memref<!tpu.dma_semaphore, #tpu.memory_space<semaphore_mem>>)
    %dma_start3A_454 = arith.constant 91 : i32
    %dma_start3A_455 = arith.constant 0 : i32
    %dma_start3A_456 = arith.constant 0 : i32
    %dma_start3A_457 = tpu.memref_slice %arg2[%dma_start3A_454, %dma_start3A_455, %dma_start3A_456] : memref<128x200x4096xf32, #tpu.memory_space<any>> -> memref<1x200x4096xf32, #tpu.memory_space<any>>
    %dma_start3A_458 = tpu.memref_squeeze %dma_start3A_457 : memref<1x200x4096xf32, #tpu.memory_space<any>> -> memref<200x4096xf32, #tpu.memory_space<any>>
    tpu.enqueue_dma source(%arg0 : memref<200x4096xf32, #tpu.memory_space<vmem>>) target(%dma_start3A_458 : memref<200x4096xf32, #tpu.memory_space<any>>) target_semaphore(%arg6 : memref<!tpu.dma_semaphore, #tpu.memory_space<semaphore_mem>>)
    %dma_start3A_459 = arith.constant 92 : i32
    %dma_start3A_460 = arith.constant 0 : i32
    %dma_start3A_461 = arith.constant 0 : i32
    %dma_start3A_462 = tpu.memref_slice %arg2[%dma_start3A_459, %dma_start3A_460, %dma_start3A_461] : memref<128x200x4096xf32, #tpu.memory_space<any>> -> memref<1x200x4096xf32, #tpu.memory_space<any>>
    %dma_start3A_463 = tpu.memref_squeeze %dma_start3A_462 : memref<1x200x4096xf32, #tpu.memory_space<any>> -> memref<200x4096xf32, #tpu.memory_space<any>>
    tpu.enqueue_dma source(%arg0 : memref<200x4096xf32, #tpu.memory_space<vmem>>) target(%dma_start3A_463 : memref<200x4096xf32, #tpu.memory_space<any>>) target_semaphore(%arg7 : memref<!tpu.dma_semaphore, #tpu.memory_space<semaphore_mem>>)
    %dma_start3A_464 = arith.constant 93 : i32
    %dma_start3A_465 = arith.constant 0 : i32
    %dma_start3A_466 = arith.constant 0 : i32
    %dma_start3A_467 = tpu.memref_slice %arg2[%dma_start3A_464, %dma_start3A_465, %dma_start3A_466] : memref<128x200x4096xf32, #tpu.memory_space<any>> -> memref<1x200x4096xf32, #tpu.memory_space<any>>
    %dma_start3A_468 = tpu.memref_squeeze %dma_start3A_467 : memref<1x200x4096xf32, #tpu.memory_space<any>> -> memref<200x4096xf32, #tpu.memory_space<any>>
    tpu.enqueue_dma source(%arg0 : memref<200x4096xf32, #tpu.memory_space<vmem>>) target(%dma_start3A_468 : memref<200x4096xf32, #tpu.memory_space<any>>) target_semaphore(%arg8 : memref<!tpu.dma_semaphore, #tpu.memory_space<semaphore_mem>>)
    %dma_start3A_469 = arith.constant 94 : i32
    %dma_start3A_470 = arith.constant 0 : i32
    %dma_start3A_471 = arith.constant 0 : i32
    %dma_start3A_472 = tpu.memref_slice %arg2[%dma_start3A_469, %dma_start3A_470, %dma_start3A_471] : memref<128x200x4096xf32, #tpu.memory_space<any>> -> memref<1x200x4096xf32, #tpu.memory_space<any>>
    %dma_start3A_473 = tpu.memref_squeeze %dma_start3A_472 : memref<1x200x4096xf32, #tpu.memory_space<any>> -> memref<200x4096xf32, #tpu.memory_space<any>>
    tpu.enqueue_dma source(%arg0 : memref<200x4096xf32, #tpu.memory_space<vmem>>) target(%dma_start3A_473 : memref<200x4096xf32, #tpu.memory_space<any>>) target_semaphore(%arg9 : memref<!tpu.dma_semaphore, #tpu.memory_space<semaphore_mem>>)
    %dma_start3A_474 = arith.constant 95 : i32
    %dma_start3A_475 = arith.constant 0 : i32
    %dma_start3A_476 = arith.constant 0 : i32
    %dma_start3A_477 = tpu.memref_slice %arg2[%dma_start3A_474, %dma_start3A_475, %dma_start3A_476] : memref<128x200x4096xf32, #tpu.memory_space<any>> -> memref<1x200x4096xf32, #tpu.memory_space<any>>
    %dma_start3A_478 = tpu.memref_squeeze %dma_start3A_477 : memref<1x200x4096xf32, #tpu.memory_space<any>> -> memref<200x4096xf32, #tpu.memory_space<any>>
    tpu.enqueue_dma source(%arg0 : memref<200x4096xf32, #tpu.memory_space<vmem>>) target(%dma_start3A_478 : memref<200x4096xf32, #tpu.memory_space<any>>) target_semaphore(%arg10 : memref<!tpu.dma_semaphore, #tpu.memory_space<semaphore_mem>>)
    %dma_start3A_479 = arith.constant 96 : i32
    %dma_start3A_480 = arith.constant 0 : i32
    %dma_start3A_481 = arith.constant 0 : i32
    %dma_start3A_482 = tpu.memref_slice %arg2[%dma_start3A_479, %dma_start3A_480, %dma_start3A_481] : memref<128x200x4096xf32, #tpu.memory_space<any>> -> memref<1x200x4096xf32, #tpu.memory_space<any>>
    %dma_start3A_483 = tpu.memref_squeeze %dma_start3A_482 : memref<1x200x4096xf32, #tpu.memory_space<any>> -> memref<200x4096xf32, #tpu.memory_space<any>>
    tpu.enqueue_dma source(%arg0 : memref<200x4096xf32, #tpu.memory_space<vmem>>) target(%dma_start3A_483 : memref<200x4096xf32, #tpu.memory_space<any>>) target_semaphore(%arg3 : memref<!tpu.dma_semaphore, #tpu.memory_space<semaphore_mem>>)
    %dma_start3A_484 = arith.constant 97 : i32
    %dma_start3A_485 = arith.constant 0 : i32
    %dma_start3A_486 = arith.constant 0 : i32
    %dma_start3A_487 = tpu.memref_slice %arg2[%dma_start3A_484, %dma_start3A_485, %dma_start3A_486] : memref<128x200x4096xf32, #tpu.memory_space<any>> -> memref<1x200x4096xf32, #tpu.memory_space<any>>
    %dma_start3A_488 = tpu.memref_squeeze %dma_start3A_487 : memref<1x200x4096xf32, #tpu.memory_space<any>> -> memref<200x4096xf32, #tpu.memory_space<any>>
    tpu.enqueue_dma source(%arg0 : memref<200x4096xf32, #tpu.memory_space<vmem>>) target(%dma_start3A_488 : memref<200x4096xf32, #tpu.memory_space<any>>) target_semaphore(%arg4 : memref<!tpu.dma_semaphore, #tpu.memory_space<semaphore_mem>>)
    %dma_start3A_489 = arith.constant 98 : i32
    %dma_start3A_490 = arith.constant 0 : i32
    %dma_start3A_491 = arith.constant 0 : i32
    %dma_start3A_492 = tpu.memref_slice %arg2[%dma_start3A_489, %dma_start3A_490, %dma_start3A_491] : memref<128x200x4096xf32, #tpu.memory_space<any>> -> memref<1x200x4096xf32, #tpu.memory_space<any>>
    %dma_start3A_493 = tpu.memref_squeeze %dma_start3A_492 : memref<1x200x4096xf32, #tpu.memory_space<any>> -> memref<200x4096xf32, #tpu.memory_space<any>>
    tpu.enqueue_dma source(%arg0 : memref<200x4096xf32, #tpu.memory_space<vmem>>) target(%dma_start3A_493 : memref<200x4096xf32, #tpu.memory_space<any>>) target_semaphore(%arg5 : memref<!tpu.dma_semaphore, #tpu.memory_space<semaphore_mem>>)
    %dma_start3A_494 = arith.constant 99 : i32
    %dma_start3A_495 = arith.constant 0 : i32
    %dma_start3A_496 = arith.constant 0 : i32
    %dma_start3A_497 = tpu.memref_slice %arg2[%dma_start3A_494, %dma_start3A_495, %dma_start3A_496] : memref<128x200x4096xf32, #tpu.memory_space<any>> -> memref<1x200x4096xf32, #tpu.memory_space<any>>
    %dma_start3A_498 = tpu.memref_squeeze %dma_start3A_497 : memref<1x200x4096xf32, #tpu.memory_space<any>> -> memref<200x4096xf32, #tpu.memory_space<any>>
    tpu.enqueue_dma source(%arg0 : memref<200x4096xf32, #tpu.memory_space<vmem>>) target(%dma_start3A_498 : memref<200x4096xf32, #tpu.memory_space<any>>) target_semaphore(%arg6 : memref<!tpu.dma_semaphore, #tpu.memory_space<semaphore_mem>>)
    %dma_start3A_499 = arith.constant 100 : i32
    %dma_start3A_500 = arith.constant 0 : i32
    %dma_start3A_501 = arith.constant 0 : i32
    %dma_start3A_502 = tpu.memref_slice %arg2[%dma_start3A_499, %dma_start3A_500, %dma_start3A_501] : memref<128x200x4096xf32, #tpu.memory_space<any>> -> memref<1x200x4096xf32, #tpu.memory_space<any>>
    %dma_start3A_503 = tpu.memref_squeeze %dma_start3A_502 : memref<1x200x4096xf32, #tpu.memory_space<any>> -> memref<200x4096xf32, #tpu.memory_space<any>>
    tpu.enqueue_dma source(%arg0 : memref<200x4096xf32, #tpu.memory_space<vmem>>) target(%dma_start3A_503 : memref<200x4096xf32, #tpu.memory_space<any>>) target_semaphore(%arg7 : memref<!tpu.dma_semaphore, #tpu.memory_space<semaphore_mem>>)
    %dma_start3A_504 = arith.constant 101 : i32
    %dma_start3A_505 = arith.constant 0 : i32
    %dma_start3A_506 = arith.constant 0 : i32
    %dma_start3A_507 = tpu.memref_slice %arg2[%dma_start3A_504, %dma_start3A_505, %dma_start3A_506] : memref<128x200x4096xf32, #tpu.memory_space<any>> -> memref<1x200x4096xf32, #tpu.memory_space<any>>
    %dma_start3A_508 = tpu.memref_squeeze %dma_start3A_507 : memref<1x200x4096xf32, #tpu.memory_space<any>> -> memref<200x4096xf32, #tpu.memory_space<any>>
    tpu.enqueue_dma source(%arg0 : memref<200x4096xf32, #tpu.memory_space<vmem>>) target(%dma_start3A_508 : memref<200x4096xf32, #tpu.memory_space<any>>) target_semaphore(%arg8 : memref<!tpu.dma_semaphore, #tpu.memory_space<semaphore_mem>>)
    %dma_start3A_509 = arith.constant 102 : i32
    %dma_start3A_510 = arith.constant 0 : i32
    %dma_start3A_511 = arith.constant 0 : i32
    %dma_start3A_512 = tpu.memref_slice %arg2[%dma_start3A_509, %dma_start3A_510, %dma_start3A_511] : memref<128x200x4096xf32, #tpu.memory_space<any>> -> memref<1x200x4096xf32, #tpu.memory_space<any>>
    %dma_start3A_513 = tpu.memref_squeeze %dma_start3A_512 : memref<1x200x4096xf32, #tpu.memory_space<any>> -> memref<200x4096xf32, #tpu.memory_space<any>>
    tpu.enqueue_dma source(%arg0 : memref<200x4096xf32, #tpu.memory_space<vmem>>) target(%dma_start3A_513 : memref<200x4096xf32, #tpu.memory_space<any>>) target_semaphore(%arg9 : memref<!tpu.dma_semaphore, #tpu.memory_space<semaphore_mem>>)
    %dma_start3A_514 = arith.constant 103 : i32
    %dma_start3A_515 = arith.constant 0 : i32
    %dma_start3A_516 = arith.constant 0 : i32
    %dma_start3A_517 = tpu.memref_slice %arg2[%dma_start3A_514, %dma_start3A_515, %dma_start3A_516] : memref<128x200x4096xf32, #tpu.memory_space<any>> -> memref<1x200x4096xf32, #tpu.memory_space<any>>
    %dma_start3A_518 = tpu.memref_squeeze %dma_start3A_517 : memref<1x200x4096xf32, #tpu.memory_space<any>> -> memref<200x4096xf32, #tpu.memory_space<any>>
    tpu.enqueue_dma source(%arg0 : memref<200x4096xf32, #tpu.memory_space<vmem>>) target(%dma_start3A_518 : memref<200x4096xf32, #tpu.memory_space<any>>) target_semaphore(%arg10 : memref<!tpu.dma_semaphore, #tpu.memory_space<semaphore_mem>>)
    %dma_start3A_519 = arith.constant 104 : i32
    %dma_start3A_520 = arith.constant 0 : i32
    %dma_start3A_521 = arith.constant 0 : i32
    %dma_start3A_522 = tpu.memref_slice %arg2[%dma_start3A_519, %dma_start3A_520, %dma_start3A_521] : memref<128x200x4096xf32, #tpu.memory_space<any>> -> memref<1x200x4096xf32, #tpu.memory_space<any>>
    %dma_start3A_523 = tpu.memref_squeeze %dma_start3A_522 : memref<1x200x4096xf32, #tpu.memory_space<any>> -> memref<200x4096xf32, #tpu.memory_space<any>>
    tpu.enqueue_dma source(%arg0 : memref<200x4096xf32, #tpu.memory_space<vmem>>) target(%dma_start3A_523 : memref<200x4096xf32, #tpu.memory_space<any>>) target_semaphore(%arg3 : memref<!tpu.dma_semaphore, #tpu.memory_space<semaphore_mem>>)
    %dma_start3A_524 = arith.constant 105 : i32
    %dma_start3A_525 = arith.constant 0 : i32
    %dma_start3A_526 = arith.constant 0 : i32
    %dma_start3A_527 = tpu.memref_slice %arg2[%dma_start3A_524, %dma_start3A_525, %dma_start3A_526] : memref<128x200x4096xf32, #tpu.memory_space<any>> -> memref<1x200x4096xf32, #tpu.memory_space<any>>
    %dma_start3A_528 = tpu.memref_squeeze %dma_start3A_527 : memref<1x200x4096xf32, #tpu.memory_space<any>> -> memref<200x4096xf32, #tpu.memory_space<any>>
    tpu.enqueue_dma source(%arg0 : memref<200x4096xf32, #tpu.memory_space<vmem>>) target(%dma_start3A_528 : memref<200x4096xf32, #tpu.memory_space<any>>) target_semaphore(%arg4 : memref<!tpu.dma_semaphore, #tpu.memory_space<semaphore_mem>>)
    %dma_start3A_529 = arith.constant 106 : i32
    %dma_start3A_530 = arith.constant 0 : i32
    %dma_start3A_531 = arith.constant 0 : i32
    %dma_start3A_532 = tpu.memref_slice %arg2[%dma_start3A_529, %dma_start3A_530, %dma_start3A_531] : memref<128x200x4096xf32, #tpu.memory_space<any>> -> memref<1x200x4096xf32, #tpu.memory_space<any>>
    %dma_start3A_533 = tpu.memref_squeeze %dma_start3A_532 : memref<1x200x4096xf32, #tpu.memory_space<any>> -> memref<200x4096xf32, #tpu.memory_space<any>>
    tpu.enqueue_dma source(%arg0 : memref<200x4096xf32, #tpu.memory_space<vmem>>) target(%dma_start3A_533 : memref<200x4096xf32, #tpu.memory_space<any>>) target_semaphore(%arg5 : memref<!tpu.dma_semaphore, #tpu.memory_space<semaphore_mem>>)
    %dma_start3A_534 = arith.constant 107 : i32
    %dma_start3A_535 = arith.constant 0 : i32
    %dma_start3A_536 = arith.constant 0 : i32
    %dma_start3A_537 = tpu.memref_slice %arg2[%dma_start3A_534, %dma_start3A_535, %dma_start3A_536] : memref<128x200x4096xf32, #tpu.memory_space<any>> -> memref<1x200x4096xf32, #tpu.memory_space<any>>
    %dma_start3A_538 = tpu.memref_squeeze %dma_start3A_537 : memref<1x200x4096xf32, #tpu.memory_space<any>> -> memref<200x4096xf32, #tpu.memory_space<any>>
    tpu.enqueue_dma source(%arg0 : memref<200x4096xf32, #tpu.memory_space<vmem>>) target(%dma_start3A_538 : memref<200x4096xf32, #tpu.memory_space<any>>) target_semaphore(%arg6 : memref<!tpu.dma_semaphore, #tpu.memory_space<semaphore_mem>>)
    %dma_start3A_539 = arith.constant 108 : i32
    %dma_start3A_540 = arith.constant 0 : i32
    %dma_start3A_541 = arith.constant 0 : i32
    %dma_start3A_542 = tpu.memref_slice %arg2[%dma_start3A_539, %dma_start3A_540, %dma_start3A_541] : memref<128x200x4096xf32, #tpu.memory_space<any>> -> memref<1x200x4096xf32, #tpu.memory_space<any>>
    %dma_start3A_543 = tpu.memref_squeeze %dma_start3A_542 : memref<1x200x4096xf32, #tpu.memory_space<any>> -> memref<200x4096xf32, #tpu.memory_space<any>>
    tpu.enqueue_dma source(%arg0 : memref<200x4096xf32, #tpu.memory_space<vmem>>) target(%dma_start3A_543 : memref<200x4096xf32, #tpu.memory_space<any>>) target_semaphore(%arg7 : memref<!tpu.dma_semaphore, #tpu.memory_space<semaphore_mem>>)
    %dma_start3A_544 = arith.constant 109 : i32
    %dma_start3A_545 = arith.constant 0 : i32
    %dma_start3A_546 = arith.constant 0 : i32
    %dma_start3A_547 = tpu.memref_slice %arg2[%dma_start3A_544, %dma_start3A_545, %dma_start3A_546] : memref<128x200x4096xf32, #tpu.memory_space<any>> -> memref<1x200x4096xf32, #tpu.memory_space<any>>
    %dma_start3A_548 = tpu.memref_squeeze %dma_start3A_547 : memref<1x200x4096xf32, #tpu.memory_space<any>> -> memref<200x4096xf32, #tpu.memory_space<any>>
    tpu.enqueue_dma source(%arg0 : memref<200x4096xf32, #tpu.memory_space<vmem>>) target(%dma_start3A_548 : memref<200x4096xf32, #tpu.memory_space<any>>) target_semaphore(%arg8 : memref<!tpu.dma_semaphore, #tpu.memory_space<semaphore_mem>>)
    %dma_start3A_549 = arith.constant 110 : i32
    %dma_start3A_550 = arith.constant 0 : i32
    %dma_start3A_551 = arith.constant 0 : i32
    %dma_start3A_552 = tpu.memref_slice %arg2[%dma_start3A_549, %dma_start3A_550, %dma_start3A_551] : memref<128x200x4096xf32, #tpu.memory_space<any>> -> memref<1x200x4096xf32, #tpu.memory_space<any>>
    %dma_start3A_553 = tpu.memref_squeeze %dma_start3A_552 : memref<1x200x4096xf32, #tpu.memory_space<any>> -> memref<200x4096xf32, #tpu.memory_space<any>>
    tpu.enqueue_dma source(%arg0 : memref<200x4096xf32, #tpu.memory_space<vmem>>) target(%dma_start3A_553 : memref<200x4096xf32, #tpu.memory_space<any>>) target_semaphore(%arg9 : memref<!tpu.dma_semaphore, #tpu.memory_space<semaphore_mem>>)
    %dma_start3A_554 = arith.constant 111 : i32
    %dma_start3A_555 = arith.constant 0 : i32
    %dma_start3A_556 = arith.constant 0 : i32
    %dma_start3A_557 = tpu.memref_slice %arg2[%dma_start3A_554, %dma_start3A_555, %dma_start3A_556] : memref<128x200x4096xf32, #tpu.memory_space<any>> -> memref<1x200x4096xf32, #tpu.memory_space<any>>
    %dma_start3A_558 = tpu.memref_squeeze %dma_start3A_557 : memref<1x200x4096xf32, #tpu.memory_space<any>> -> memref<200x4096xf32, #tpu.memory_space<any>>
    tpu.enqueue_dma source(%arg0 : memref<200x4096xf32, #tpu.memory_space<vmem>>) target(%dma_start3A_558 : memref<200x4096xf32, #tpu.memory_space<any>>) target_semaphore(%arg10 : memref<!tpu.dma_semaphore, #tpu.memory_space<semaphore_mem>>)
    %dma_start3A_559 = arith.constant 112 : i32
    %dma_start3A_560 = arith.constant 0 : i32
    %dma_start3A_561 = arith.constant 0 : i32
    %dma_start3A_562 = tpu.memref_slice %arg2[%dma_start3A_559, %dma_start3A_560, %dma_start3A_561] : memref<128x200x4096xf32, #tpu.memory_space<any>> -> memref<1x200x4096xf32, #tpu.memory_space<any>>
    %dma_start3A_563 = tpu.memref_squeeze %dma_start3A_562 : memref<1x200x4096xf32, #tpu.memory_space<any>> -> memref<200x4096xf32, #tpu.memory_space<any>>
    tpu.enqueue_dma source(%arg0 : memref<200x4096xf32, #tpu.memory_space<vmem>>) target(%dma_start3A_563 : memref<200x4096xf32, #tpu.memory_space<any>>) target_semaphore(%arg3 : memref<!tpu.dma_semaphore, #tpu.memory_space<semaphore_mem>>)
    %dma_start3A_564 = arith.constant 113 : i32
    %dma_start3A_565 = arith.constant 0 : i32
    %dma_start3A_566 = arith.constant 0 : i32
    %dma_start3A_567 = tpu.memref_slice %arg2[%dma_start3A_564, %dma_start3A_565, %dma_start3A_566] : memref<128x200x4096xf32, #tpu.memory_space<any>> -> memref<1x200x4096xf32, #tpu.memory_space<any>>
    %dma_start3A_568 = tpu.memref_squeeze %dma_start3A_567 : memref<1x200x4096xf32, #tpu.memory_space<any>> -> memref<200x4096xf32, #tpu.memory_space<any>>
    tpu.enqueue_dma source(%arg0 : memref<200x4096xf32, #tpu.memory_space<vmem>>) target(%dma_start3A_568 : memref<200x4096xf32, #tpu.memory_space<any>>) target_semaphore(%arg4 : memref<!tpu.dma_semaphore, #tpu.memory_space<semaphore_mem>>)
    %dma_start3A_569 = arith.constant 114 : i32
    %dma_start3A_570 = arith.constant 0 : i32
    %dma_start3A_571 = arith.constant 0 : i32
    %dma_start3A_572 = tpu.memref_slice %arg2[%dma_start3A_569, %dma_start3A_570, %dma_start3A_571] : memref<128x200x4096xf32, #tpu.memory_space<any>> -> memref<1x200x4096xf32, #tpu.memory_space<any>>
    %dma_start3A_573 = tpu.memref_squeeze %dma_start3A_572 : memref<1x200x4096xf32, #tpu.memory_space<any>> -> memref<200x4096xf32, #tpu.memory_space<any>>
    tpu.enqueue_dma source(%arg0 : memref<200x4096xf32, #tpu.memory_space<vmem>>) target(%dma_start3A_573 : memref<200x4096xf32, #tpu.memory_space<any>>) target_semaphore(%arg5 : memref<!tpu.dma_semaphore, #tpu.memory_space<semaphore_mem>>)
    %dma_start3A_574 = arith.constant 115 : i32
    %dma_start3A_575 = arith.constant 0 : i32
    %dma_start3A_576 = arith.constant 0 : i32
    %dma_start3A_577 = tpu.memref_slice %arg2[%dma_start3A_574, %dma_start3A_575, %dma_start3A_576] : memref<128x200x4096xf32, #tpu.memory_space<any>> -> memref<1x200x4096xf32, #tpu.memory_space<any>>
    %dma_start3A_578 = tpu.memref_squeeze %dma_start3A_577 : memref<1x200x4096xf32, #tpu.memory_space<any>> -> memref<200x4096xf32, #tpu.memory_space<any>>
    tpu.enqueue_dma source(%arg0 : memref<200x4096xf32, #tpu.memory_space<vmem>>) target(%dma_start3A_578 : memref<200x4096xf32, #tpu.memory_space<any>>) target_semaphore(%arg6 : memref<!tpu.dma_semaphore, #tpu.memory_space<semaphore_mem>>)
    %dma_start3A_579 = arith.constant 116 : i32
    %dma_start3A_580 = arith.constant 0 : i32
    %dma_start3A_581 = arith.constant 0 : i32
    %dma_start3A_582 = tpu.memref_slice %arg2[%dma_start3A_579, %dma_start3A_580, %dma_start3A_581] : memref<128x200x4096xf32, #tpu.memory_space<any>> -> memref<1x200x4096xf32, #tpu.memory_space<any>>
    %dma_start3A_583 = tpu.memref_squeeze %dma_start3A_582 : memref<1x200x4096xf32, #tpu.memory_space<any>> -> memref<200x4096xf32, #tpu.memory_space<any>>
    tpu.enqueue_dma source(%arg0 : memref<200x4096xf32, #tpu.memory_space<vmem>>) target(%dma_start3A_583 : memref<200x4096xf32, #tpu.memory_space<any>>) target_semaphore(%arg7 : memref<!tpu.dma_semaphore, #tpu.memory_space<semaphore_mem>>)
    %dma_start3A_584 = arith.constant 117 : i32
    %dma_start3A_585 = arith.constant 0 : i32
    %dma_start3A_586 = arith.constant 0 : i32
    %dma_start3A_587 = tpu.memref_slice %arg2[%dma_start3A_584, %dma_start3A_585, %dma_start3A_586] : memref<128x200x4096xf32, #tpu.memory_space<any>> -> memref<1x200x4096xf32, #tpu.memory_space<any>>
    %dma_start3A_588 = tpu.memref_squeeze %dma_start3A_587 : memref<1x200x4096xf32, #tpu.memory_space<any>> -> memref<200x4096xf32, #tpu.memory_space<any>>
    tpu.enqueue_dma source(%arg0 : memref<200x4096xf32, #tpu.memory_space<vmem>>) target(%dma_start3A_588 : memref<200x4096xf32, #tpu.memory_space<any>>) target_semaphore(%arg8 : memref<!tpu.dma_semaphore, #tpu.memory_space<semaphore_mem>>)
    %dma_start3A_589 = arith.constant 118 : i32
    %dma_start3A_590 = arith.constant 0 : i32
    %dma_start3A_591 = arith.constant 0 : i32
    %dma_start3A_592 = tpu.memref_slice %arg2[%dma_start3A_589, %dma_start3A_590, %dma_start3A_591] : memref<128x200x4096xf32, #tpu.memory_space<any>> -> memref<1x200x4096xf32, #tpu.memory_space<any>>
    %dma_start3A_593 = tpu.memref_squeeze %dma_start3A_592 : memref<1x200x4096xf32, #tpu.memory_space<any>> -> memref<200x4096xf32, #tpu.memory_space<any>>
    tpu.enqueue_dma source(%arg0 : memref<200x4096xf32, #tpu.memory_space<vmem>>) target(%dma_start3A_593 : memref<200x4096xf32, #tpu.memory_space<any>>) target_semaphore(%arg9 : memref<!tpu.dma_semaphore, #tpu.memory_space<semaphore_mem>>)
    %dma_start3A_594 = arith.constant 119 : i32
    %dma_start3A_595 = arith.constant 0 : i32
    %dma_start3A_596 = arith.constant 0 : i32
    %dma_start3A_597 = tpu.memref_slice %arg2[%dma_start3A_594, %dma_start3A_595, %dma_start3A_596] : memref<128x200x4096xf32, #tpu.memory_space<any>> -> memref<1x200x4096xf32, #tpu.memory_space<any>>
    %dma_start3A_598 = tpu.memref_squeeze %dma_start3A_597 : memref<1x200x4096xf32, #tpu.memory_space<any>> -> memref<200x4096xf32, #tpu.memory_space<any>>
    tpu.enqueue_dma source(%arg0 : memref<200x4096xf32, #tpu.memory_space<vmem>>) target(%dma_start3A_598 : memref<200x4096xf32, #tpu.memory_space<any>>) target_semaphore(%arg10 : memref<!tpu.dma_semaphore, #tpu.memory_space<semaphore_mem>>)
    %dma_wait3A = arith.constant 0 : i32
    %dma_wait3A_599 = arith.constant 0 : i32
    %dma_wait3A_600 = arith.constant 0 : i32
    %dma_wait3A_601 = tpu.memref_slice %arg2[%dma_wait3A, %dma_wait3A_599, %dma_wait3A_600] : memref<128x200x4096xf32, #tpu.memory_space<any>> -> memref<1x200x4096xf32, #tpu.memory_space<any>>
    %dma_wait3A_602 = tpu.memref_squeeze %dma_wait3A_601 : memref<1x200x4096xf32, #tpu.memory_space<any>> -> memref<200x4096xf32, #tpu.memory_space<any>>
    tpu.wait_dma2 semaphore(%arg3 : memref<!tpu.dma_semaphore, #tpu.memory_space<semaphore_mem>>) src(%arg0 : memref<200x4096xf32, #tpu.memory_space<vmem>>) dst(%dma_wait3A_602 : memref<200x4096xf32, #tpu.memory_space<any>>)
    %dma_wait3A_603 = arith.constant 1 : i32
    %dma_wait3A_604 = arith.constant 0 : i32
    %dma_wait3A_605 = arith.constant 0 : i32
    %dma_wait3A_606 = tpu.memref_slice %arg2[%dma_wait3A_603, %dma_wait3A_604, %dma_wait3A_605] : memref<128x200x4096xf32, #tpu.memory_space<any>> -> memref<1x200x4096xf32, #tpu.memory_space<any>>
    %dma_wait3A_607 = tpu.memref_squeeze %dma_wait3A_606 : memref<1x200x4096xf32, #tpu.memory_space<any>> -> memref<200x4096xf32, #tpu.memory_space<any>>
    tpu.wait_dma2 semaphore(%arg4 : memref<!tpu.dma_semaphore, #tpu.memory_space<semaphore_mem>>) src(%arg0 : memref<200x4096xf32, #tpu.memory_space<vmem>>) dst(%dma_wait3A_607 : memref<200x4096xf32, #tpu.memory_space<any>>)
    %dma_wait3A_608 = arith.constant 2 : i32
    %dma_wait3A_609 = arith.constant 0 : i32
    %dma_wait3A_610 = arith.constant 0 : i32
    %dma_wait3A_611 = tpu.memref_slice %arg2[%dma_wait3A_608, %dma_wait3A_609, %dma_wait3A_610] : memref<128x200x4096xf32, #tpu.memory_space<any>> -> memref<1x200x4096xf32, #tpu.memory_space<any>>
    %dma_wait3A_612 = tpu.memref_squeeze %dma_wait3A_611 : memref<1x200x4096xf32, #tpu.memory_space<any>> -> memref<200x4096xf32, #tpu.memory_space<any>>
    tpu.wait_dma2 semaphore(%arg5 : memref<!tpu.dma_semaphore, #tpu.memory_space<semaphore_mem>>) src(%arg0 : memref<200x4096xf32, #tpu.memory_space<vmem>>) dst(%dma_wait3A_612 : memref<200x4096xf32, #tpu.memory_space<any>>)
    %dma_wait3A_613 = arith.constant 3 : i32
    %dma_wait3A_614 = arith.constant 0 : i32
    %dma_wait3A_615 = arith.constant 0 : i32
    %dma_wait3A_616 = tpu.memref_slice %arg2[%dma_wait3A_613, %dma_wait3A_614, %dma_wait3A_615] : memref<128x200x4096xf32, #tpu.memory_space<any>> -> memref<1x200x4096xf32, #tpu.memory_space<any>>
    %dma_wait3A_617 = tpu.memref_squeeze %dma_wait3A_616 : memref<1x200x4096xf32, #tpu.memory_space<any>> -> memref<200x4096xf32, #tpu.memory_space<any>>
    tpu.wait_dma2 semaphore(%arg6 : memref<!tpu.dma_semaphore, #tpu.memory_space<semaphore_mem>>) src(%arg0 : memref<200x4096xf32, #tpu.memory_space<vmem>>) dst(%dma_wait3A_617 : memref<200x4096xf32, #tpu.memory_space<any>>)
    %dma_wait3A_618 = arith.constant 4 : i32
    %dma_wait3A_619 = arith.constant 0 : i32
    %dma_wait3A_620 = arith.constant 0 : i32
    %dma_wait3A_621 = tpu.memref_slice %arg2[%dma_wait3A_618, %dma_wait3A_619, %dma_wait3A_620] : memref<128x200x4096xf32, #tpu.memory_space<any>> -> memref<1x200x4096xf32, #tpu.memory_space<any>>
    %dma_wait3A_622 = tpu.memref_squeeze %dma_wait3A_621 : memref<1x200x4096xf32, #tpu.memory_space<any>> -> memref<200x4096xf32, #tpu.memory_space<any>>
    tpu.wait_dma2 semaphore(%arg7 : memref<!tpu.dma_semaphore, #tpu.memory_space<semaphore_mem>>) src(%arg0 : memref<200x4096xf32, #tpu.memory_space<vmem>>) dst(%dma_wait3A_622 : memref<200x4096xf32, #tpu.memory_space<any>>)
    %dma_wait3A_623 = arith.constant 5 : i32
    %dma_wait3A_624 = arith.constant 0 : i32
    %dma_wait3A_625 = arith.constant 0 : i32
    %dma_wait3A_626 = tpu.memref_slice %arg2[%dma_wait3A_623, %dma_wait3A_624, %dma_wait3A_625] : memref<128x200x4096xf32, #tpu.memory_space<any>> -> memref<1x200x4096xf32, #tpu.memory_space<any>>
    %dma_wait3A_627 = tpu.memref_squeeze %dma_wait3A_626 : memref<1x200x4096xf32, #tpu.memory_space<any>> -> memref<200x4096xf32, #tpu.memory_space<any>>
    tpu.wait_dma2 semaphore(%arg8 : memref<!tpu.dma_semaphore, #tpu.memory_space<semaphore_mem>>) src(%arg0 : memref<200x4096xf32, #tpu.memory_space<vmem>>) dst(%dma_wait3A_627 : memref<200x4096xf32, #tpu.memory_space<any>>)
    %dma_wait3A_628 = arith.constant 6 : i32
    %dma_wait3A_629 = arith.constant 0 : i32
    %dma_wait3A_630 = arith.constant 0 : i32
    %dma_wait3A_631 = tpu.memref_slice %arg2[%dma_wait3A_628, %dma_wait3A_629, %dma_wait3A_630] : memref<128x200x4096xf32, #tpu.memory_space<any>> -> memref<1x200x4096xf32, #tpu.memory_space<any>>
    %dma_wait3A_632 = tpu.memref_squeeze %dma_wait3A_631 : memref<1x200x4096xf32, #tpu.memory_space<any>> -> memref<200x4096xf32, #tpu.memory_space<any>>
    tpu.wait_dma2 semaphore(%arg9 : memref<!tpu.dma_semaphore, #tpu.memory_space<semaphore_mem>>) src(%arg0 : memref<200x4096xf32, #tpu.memory_space<vmem>>) dst(%dma_wait3A_632 : memref<200x4096xf32, #tpu.memory_space<any>>)
    %dma_wait3A_633 = arith.constant 7 : i32
    %dma_wait3A_634 = arith.constant 0 : i32
    %dma_wait3A_635 = arith.constant 0 : i32
    %dma_wait3A_636 = tpu.memref_slice %arg2[%dma_wait3A_633, %dma_wait3A_634, %dma_wait3A_635] : memref<128x200x4096xf32, #tpu.memory_space<any>> -> memref<1x200x4096xf32, #tpu.memory_space<any>>
    %dma_wait3A_637 = tpu.memref_squeeze %dma_wait3A_636 : memref<1x200x4096xf32, #tpu.memory_space<any>> -> memref<200x4096xf32, #tpu.memory_space<any>>
    tpu.wait_dma2 semaphore(%arg10 : memref<!tpu.dma_semaphore, #tpu.memory_space<semaphore_mem>>) src(%arg0 : memref<200x4096xf32, #tpu.memory_space<vmem>>) dst(%dma_wait3A_637 : memref<200x4096xf32, #tpu.memory_space<any>>)
    %dma_wait3A_638 = arith.constant 8 : i32
    %dma_wait3A_639 = arith.constant 0 : i32
    %dma_wait3A_640 = arith.constant 0 : i32
    %dma_wait3A_641 = tpu.memref_slice %arg2[%dma_wait3A_638, %dma_wait3A_639, %dma_wait3A_640] : memref<128x200x4096xf32, #tpu.memory_space<any>> -> memref<1x200x4096xf32, #tpu.memory_space<any>>
    %dma_wait3A_642 = tpu.memref_squeeze %dma_wait3A_641 : memref<1x200x4096xf32, #tpu.memory_space<any>> -> memref<200x4096xf32, #tpu.memory_space<any>>
    tpu.wait_dma2 semaphore(%arg3 : memref<!tpu.dma_semaphore, #tpu.memory_space<semaphore_mem>>) src(%arg0 : memref<200x4096xf32, #tpu.memory_space<vmem>>) dst(%dma_wait3A_642 : memref<200x4096xf32, #tpu.memory_space<any>>)
    %dma_wait3A_643 = arith.constant 9 : i32
    %dma_wait3A_644 = arith.constant 0 : i32
    %dma_wait3A_645 = arith.constant 0 : i32
    %dma_wait3A_646 = tpu.memref_slice %arg2[%dma_wait3A_643, %dma_wait3A_644, %dma_wait3A_645] : memref<128x200x4096xf32, #tpu.memory_space<any>> -> memref<1x200x4096xf32, #tpu.memory_space<any>>
    %dma_wait3A_647 = tpu.memref_squeeze %dma_wait3A_646 : memref<1x200x4096xf32, #tpu.memory_space<any>> -> memref<200x4096xf32, #tpu.memory_space<any>>
    tpu.wait_dma2 semaphore(%arg4 : memref<!tpu.dma_semaphore, #tpu.memory_space<semaphore_mem>>) src(%arg0 : memref<200x4096xf32, #tpu.memory_space<vmem>>) dst(%dma_wait3A_647 : memref<200x4096xf32, #tpu.memory_space<any>>)
    %dma_wait3A_648 = arith.constant 10 : i32
    %dma_wait3A_649 = arith.constant 0 : i32
    %dma_wait3A_650 = arith.constant 0 : i32
    %dma_wait3A_651 = tpu.memref_slice %arg2[%dma_wait3A_648, %dma_wait3A_649, %dma_wait3A_650] : memref<128x200x4096xf32, #tpu.memory_space<any>> -> memref<1x200x4096xf32, #tpu.memory_space<any>>
    %dma_wait3A_652 = tpu.memref_squeeze %dma_wait3A_651 : memref<1x200x4096xf32, #tpu.memory_space<any>> -> memref<200x4096xf32, #tpu.memory_space<any>>
    tpu.wait_dma2 semaphore(%arg5 : memref<!tpu.dma_semaphore, #tpu.memory_space<semaphore_mem>>) src(%arg0 : memref<200x4096xf32, #tpu.memory_space<vmem>>) dst(%dma_wait3A_652 : memref<200x4096xf32, #tpu.memory_space<any>>)
    %dma_wait3A_653 = arith.constant 11 : i32
    %dma_wait3A_654 = arith.constant 0 : i32
    %dma_wait3A_655 = arith.constant 0 : i32
    %dma_wait3A_656 = tpu.memref_slice %arg2[%dma_wait3A_653, %dma_wait3A_654, %dma_wait3A_655] : memref<128x200x4096xf32, #tpu.memory_space<any>> -> memref<1x200x4096xf32, #tpu.memory_space<any>>
    %dma_wait3A_657 = tpu.memref_squeeze %dma_wait3A_656 : memref<1x200x4096xf32, #tpu.memory_space<any>> -> memref<200x4096xf32, #tpu.memory_space<any>>
    tpu.wait_dma2 semaphore(%arg6 : memref<!tpu.dma_semaphore, #tpu.memory_space<semaphore_mem>>) src(%arg0 : memref<200x4096xf32, #tpu.memory_space<vmem>>) dst(%dma_wait3A_657 : memref<200x4096xf32, #tpu.memory_space<any>>)
    %dma_wait3A_658 = arith.constant 12 : i32
    %dma_wait3A_659 = arith.constant 0 : i32
    %dma_wait3A_660 = arith.constant 0 : i32
    %dma_wait3A_661 = tpu.memref_slice %arg2[%dma_wait3A_658, %dma_wait3A_659, %dma_wait3A_660] : memref<128x200x4096xf32, #tpu.memory_space<any>> -> memref<1x200x4096xf32, #tpu.memory_space<any>>
    %dma_wait3A_662 = tpu.memref_squeeze %dma_wait3A_661 : memref<1x200x4096xf32, #tpu.memory_space<any>> -> memref<200x4096xf32, #tpu.memory_space<any>>
    tpu.wait_dma2 semaphore(%arg7 : memref<!tpu.dma_semaphore, #tpu.memory_space<semaphore_mem>>) src(%arg0 : memref<200x4096xf32, #tpu.memory_space<vmem>>) dst(%dma_wait3A_662 : memref<200x4096xf32, #tpu.memory_space<any>>)
    %dma_wait3A_663 = arith.constant 13 : i32
    %dma_wait3A_664 = arith.constant 0 : i32
    %dma_wait3A_665 = arith.constant 0 : i32
    %dma_wait3A_666 = tpu.memref_slice %arg2[%dma_wait3A_663, %dma_wait3A_664, %dma_wait3A_665] : memref<128x200x4096xf32, #tpu.memory_space<any>> -> memref<1x200x4096xf32, #tpu.memory_space<any>>
    %dma_wait3A_667 = tpu.memref_squeeze %dma_wait3A_666 : memref<1x200x4096xf32, #tpu.memory_space<any>> -> memref<200x4096xf32, #tpu.memory_space<any>>
    tpu.wait_dma2 semaphore(%arg8 : memref<!tpu.dma_semaphore, #tpu.memory_space<semaphore_mem>>) src(%arg0 : memref<200x4096xf32, #tpu.memory_space<vmem>>) dst(%dma_wait3A_667 : memref<200x4096xf32, #tpu.memory_space<any>>)
    %dma_wait3A_668 = arith.constant 14 : i32
    %dma_wait3A_669 = arith.constant 0 : i32
    %dma_wait3A_670 = arith.constant 0 : i32
    %dma_wait3A_671 = tpu.memref_slice %arg2[%dma_wait3A_668, %dma_wait3A_669, %dma_wait3A_670] : memref<128x200x4096xf32, #tpu.memory_space<any>> -> memref<1x200x4096xf32, #tpu.memory_space<any>>
    %dma_wait3A_672 = tpu.memref_squeeze %dma_wait3A_671 : memref<1x200x4096xf32, #tpu.memory_space<any>> -> memref<200x4096xf32, #tpu.memory_space<any>>
    tpu.wait_dma2 semaphore(%arg9 : memref<!tpu.dma_semaphore, #tpu.memory_space<semaphore_mem>>) src(%arg0 : memref<200x4096xf32, #tpu.memory_space<vmem>>) dst(%dma_wait3A_672 : memref<200x4096xf32, #tpu.memory_space<any>>)
    %dma_wait3A_673 = arith.constant 15 : i32
    %dma_wait3A_674 = arith.constant 0 : i32
    %dma_wait3A_675 = arith.constant 0 : i32
    %dma_wait3A_676 = tpu.memref_slice %arg2[%dma_wait3A_673, %dma_wait3A_674, %dma_wait3A_675] : memref<128x200x4096xf32, #tpu.memory_space<any>> -> memref<1x200x4096xf32, #tpu.memory_space<any>>
    %dma_wait3A_677 = tpu.memref_squeeze %dma_wait3A_676 : memref<1x200x4096xf32, #tpu.memory_space<any>> -> memref<200x4096xf32, #tpu.memory_space<any>>
    tpu.wait_dma2 semaphore(%arg10 : memref<!tpu.dma_semaphore, #tpu.memory_space<semaphore_mem>>) src(%arg0 : memref<200x4096xf32, #tpu.memory_space<vmem>>) dst(%dma_wait3A_677 : memref<200x4096xf32, #tpu.memory_space<any>>)
    %dma_wait3A_678 = arith.constant 16 : i32
    %dma_wait3A_679 = arith.constant 0 : i32
    %dma_wait3A_680 = arith.constant 0 : i32
    %dma_wait3A_681 = tpu.memref_slice %arg2[%dma_wait3A_678, %dma_wait3A_679, %dma_wait3A_680] : memref<128x200x4096xf32, #tpu.memory_space<any>> -> memref<1x200x4096xf32, #tpu.memory_space<any>>
    %dma_wait3A_682 = tpu.memref_squeeze %dma_wait3A_681 : memref<1x200x4096xf32, #tpu.memory_space<any>> -> memref<200x4096xf32, #tpu.memory_space<any>>
    tpu.wait_dma2 semaphore(%arg3 : memref<!tpu.dma_semaphore, #tpu.memory_space<semaphore_mem>>) src(%arg0 : memref<200x4096xf32, #tpu.memory_space<vmem>>) dst(%dma_wait3A_682 : memref<200x4096xf32, #tpu.memory_space<any>>)
    %dma_wait3A_683 = arith.constant 17 : i32
    %dma_wait3A_684 = arith.constant 0 : i32
    %dma_wait3A_685 = arith.constant 0 : i32
    %dma_wait3A_686 = tpu.memref_slice %arg2[%dma_wait3A_683, %dma_wait3A_684, %dma_wait3A_685] : memref<128x200x4096xf32, #tpu.memory_space<any>> -> memref<1x200x4096xf32, #tpu.memory_space<any>>
    %dma_wait3A_687 = tpu.memref_squeeze %dma_wait3A_686 : memref<1x200x4096xf32, #tpu.memory_space<any>> -> memref<200x4096xf32, #tpu.memory_space<any>>
    tpu.wait_dma2 semaphore(%arg4 : memref<!tpu.dma_semaphore, #tpu.memory_space<semaphore_mem>>) src(%arg0 : memref<200x4096xf32, #tpu.memory_space<vmem>>) dst(%dma_wait3A_687 : memref<200x4096xf32, #tpu.memory_space<any>>)
    %dma_wait3A_688 = arith.constant 18 : i32
    %dma_wait3A_689 = arith.constant 0 : i32
    %dma_wait3A_690 = arith.constant 0 : i32
    %dma_wait3A_691 = tpu.memref_slice %arg2[%dma_wait3A_688, %dma_wait3A_689, %dma_wait3A_690] : memref<128x200x4096xf32, #tpu.memory_space<any>> -> memref<1x200x4096xf32, #tpu.memory_space<any>>
    %dma_wait3A_692 = tpu.memref_squeeze %dma_wait3A_691 : memref<1x200x4096xf32, #tpu.memory_space<any>> -> memref<200x4096xf32, #tpu.memory_space<any>>
    tpu.wait_dma2 semaphore(%arg5 : memref<!tpu.dma_semaphore, #tpu.memory_space<semaphore_mem>>) src(%arg0 : memref<200x4096xf32, #tpu.memory_space<vmem>>) dst(%dma_wait3A_692 : memref<200x4096xf32, #tpu.memory_space<any>>)
    %dma_wait3A_693 = arith.constant 19 : i32
    %dma_wait3A_694 = arith.constant 0 : i32
    %dma_wait3A_695 = arith.constant 0 : i32
    %dma_wait3A_696 = tpu.memref_slice %arg2[%dma_wait3A_693, %dma_wait3A_694, %dma_wait3A_695] : memref<128x200x4096xf32, #tpu.memory_space<any>> -> memref<1x200x4096xf32, #tpu.memory_space<any>>
    %dma_wait3A_697 = tpu.memref_squeeze %dma_wait3A_696 : memref<1x200x4096xf32, #tpu.memory_space<any>> -> memref<200x4096xf32, #tpu.memory_space<any>>
    tpu.wait_dma2 semaphore(%arg6 : memref<!tpu.dma_semaphore, #tpu.memory_space<semaphore_mem>>) src(%arg0 : memref<200x4096xf32, #tpu.memory_space<vmem>>) dst(%dma_wait3A_697 : memref<200x4096xf32, #tpu.memory_space<any>>)
    %dma_wait3A_698 = arith.constant 20 : i32
    %dma_wait3A_699 = arith.constant 0 : i32
    %dma_wait3A_700 = arith.constant 0 : i32
    %dma_wait3A_701 = tpu.memref_slice %arg2[%dma_wait3A_698, %dma_wait3A_699, %dma_wait3A_700] : memref<128x200x4096xf32, #tpu.memory_space<any>> -> memref<1x200x4096xf32, #tpu.memory_space<any>>
    %dma_wait3A_702 = tpu.memref_squeeze %dma_wait3A_701 : memref<1x200x4096xf32, #tpu.memory_space<any>> -> memref<200x4096xf32, #tpu.memory_space<any>>
    tpu.wait_dma2 semaphore(%arg7 : memref<!tpu.dma_semaphore, #tpu.memory_space<semaphore_mem>>) src(%arg0 : memref<200x4096xf32, #tpu.memory_space<vmem>>) dst(%dma_wait3A_702 : memref<200x4096xf32, #tpu.memory_space<any>>)
    %dma_wait3A_703 = arith.constant 21 : i32
    %dma_wait3A_704 = arith.constant 0 : i32
    %dma_wait3A_705 = arith.constant 0 : i32
    %dma_wait3A_706 = tpu.memref_slice %arg2[%dma_wait3A_703, %dma_wait3A_704, %dma_wait3A_705] : memref<128x200x4096xf32, #tpu.memory_space<any>> -> memref<1x200x4096xf32, #tpu.memory_space<any>>
    %dma_wait3A_707 = tpu.memref_squeeze %dma_wait3A_706 : memref<1x200x4096xf32, #tpu.memory_space<any>> -> memref<200x4096xf32, #tpu.memory_space<any>>
    tpu.wait_dma2 semaphore(%arg8 : memref<!tpu.dma_semaphore, #tpu.memory_space<semaphore_mem>>) src(%arg0 : memref<200x4096xf32, #tpu.memory_space<vmem>>) dst(%dma_wait3A_707 : memref<200x4096xf32, #tpu.memory_space<any>>)
    %dma_wait3A_708 = arith.constant 22 : i32
    %dma_wait3A_709 = arith.constant 0 : i32
    %dma_wait3A_710 = arith.constant 0 : i32
    %dma_wait3A_711 = tpu.memref_slice %arg2[%dma_wait3A_708, %dma_wait3A_709, %dma_wait3A_710] : memref<128x200x4096xf32, #tpu.memory_space<any>> -> memref<1x200x4096xf32, #tpu.memory_space<any>>
    %dma_wait3A_712 = tpu.memref_squeeze %dma_wait3A_711 : memref<1x200x4096xf32, #tpu.memory_space<any>> -> memref<200x4096xf32, #tpu.memory_space<any>>
    tpu.wait_dma2 semaphore(%arg9 : memref<!tpu.dma_semaphore, #tpu.memory_space<semaphore_mem>>) src(%arg0 : memref<200x4096xf32, #tpu.memory_space<vmem>>) dst(%dma_wait3A_712 : memref<200x4096xf32, #tpu.memory_space<any>>)
    %dma_wait3A_713 = arith.constant 23 : i32
    %dma_wait3A_714 = arith.constant 0 : i32
    %dma_wait3A_715 = arith.constant 0 : i32
    %dma_wait3A_716 = tpu.memref_slice %arg2[%dma_wait3A_713, %dma_wait3A_714, %dma_wait3A_715] : memref<128x200x4096xf32, #tpu.memory_space<any>> -> memref<1x200x4096xf32, #tpu.memory_space<any>>
    %dma_wait3A_717 = tpu.memref_squeeze %dma_wait3A_716 : memref<1x200x4096xf32, #tpu.memory_space<any>> -> memref<200x4096xf32, #tpu.memory_space<any>>
    tpu.wait_dma2 semaphore(%arg10 : memref<!tpu.dma_semaphore, #tpu.memory_space<semaphore_mem>>) src(%arg0 : memref<200x4096xf32, #tpu.memory_space<vmem>>) dst(%dma_wait3A_717 : memref<200x4096xf32, #tpu.memory_space<any>>)
    %dma_wait3A_718 = arith.constant 24 : i32
    %dma_wait3A_719 = arith.constant 0 : i32
    %dma_wait3A_720 = arith.constant 0 : i32
    %dma_wait3A_721 = tpu.memref_slice %arg2[%dma_wait3A_718, %dma_wait3A_719, %dma_wait3A_720] : memref<128x200x4096xf32, #tpu.memory_space<any>> -> memref<1x200x4096xf32, #tpu.memory_space<any>>
    %dma_wait3A_722 = tpu.memref_squeeze %dma_wait3A_721 : memref<1x200x4096xf32, #tpu.memory_space<any>> -> memref<200x4096xf32, #tpu.memory_space<any>>
    tpu.wait_dma2 semaphore(%arg3 : memref<!tpu.dma_semaphore, #tpu.memory_space<semaphore_mem>>) src(%arg0 : memref<200x4096xf32, #tpu.memory_space<vmem>>) dst(%dma_wait3A_722 : memref<200x4096xf32, #tpu.memory_space<any>>)
    %dma_wait3A_723 = arith.constant 25 : i32
    %dma_wait3A_724 = arith.constant 0 : i32
    %dma_wait3A_725 = arith.constant 0 : i32
    %dma_wait3A_726 = tpu.memref_slice %arg2[%dma_wait3A_723, %dma_wait3A_724, %dma_wait3A_725] : memref<128x200x4096xf32, #tpu.memory_space<any>> -> memref<1x200x4096xf32, #tpu.memory_space<any>>
    %dma_wait3A_727 = tpu.memref_squeeze %dma_wait3A_726 : memref<1x200x4096xf32, #tpu.memory_space<any>> -> memref<200x4096xf32, #tpu.memory_space<any>>
    tpu.wait_dma2 semaphore(%arg4 : memref<!tpu.dma_semaphore, #tpu.memory_space<semaphore_mem>>) src(%arg0 : memref<200x4096xf32, #tpu.memory_space<vmem>>) dst(%dma_wait3A_727 : memref<200x4096xf32, #tpu.memory_space<any>>)
    %dma_wait3A_728 = arith.constant 26 : i32
    %dma_wait3A_729 = arith.constant 0 : i32
    %dma_wait3A_730 = arith.constant 0 : i32
    %dma_wait3A_731 = tpu.memref_slice %arg2[%dma_wait3A_728, %dma_wait3A_729, %dma_wait3A_730] : memref<128x200x4096xf32, #tpu.memory_space<any>> -> memref<1x200x4096xf32, #tpu.memory_space<any>>
    %dma_wait3A_732 = tpu.memref_squeeze %dma_wait3A_731 : memref<1x200x4096xf32, #tpu.memory_space<any>> -> memref<200x4096xf32, #tpu.memory_space<any>>
    tpu.wait_dma2 semaphore(%arg5 : memref<!tpu.dma_semaphore, #tpu.memory_space<semaphore_mem>>) src(%arg0 : memref<200x4096xf32, #tpu.memory_space<vmem>>) dst(%dma_wait3A_732 : memref<200x4096xf32, #tpu.memory_space<any>>)
    %dma_wait3A_733 = arith.constant 27 : i32
    %dma_wait3A_734 = arith.constant 0 : i32
    %dma_wait3A_735 = arith.constant 0 : i32
    %dma_wait3A_736 = tpu.memref_slice %arg2[%dma_wait3A_733, %dma_wait3A_734, %dma_wait3A_735] : memref<128x200x4096xf32, #tpu.memory_space<any>> -> memref<1x200x4096xf32, #tpu.memory_space<any>>
    %dma_wait3A_737 = tpu.memref_squeeze %dma_wait3A_736 : memref<1x200x4096xf32, #tpu.memory_space<any>> -> memref<200x4096xf32, #tpu.memory_space<any>>
    tpu.wait_dma2 semaphore(%arg6 : memref<!tpu.dma_semaphore, #tpu.memory_space<semaphore_mem>>) src(%arg0 : memref<200x4096xf32, #tpu.memory_space<vmem>>) dst(%dma_wait3A_737 : memref<200x4096xf32, #tpu.memory_space<any>>)
    %dma_wait3A_738 = arith.constant 28 : i32
    %dma_wait3A_739 = arith.constant 0 : i32
    %dma_wait3A_740 = arith.constant 0 : i32
    %dma_wait3A_741 = tpu.memref_slice %arg2[%dma_wait3A_738, %dma_wait3A_739, %dma_wait3A_740] : memref<128x200x4096xf32, #tpu.memory_space<any>> -> memref<1x200x4096xf32, #tpu.memory_space<any>>
    %dma_wait3A_742 = tpu.memref_squeeze %dma_wait3A_741 : memref<1x200x4096xf32, #tpu.memory_space<any>> -> memref<200x4096xf32, #tpu.memory_space<any>>
    tpu.wait_dma2 semaphore(%arg7 : memref<!tpu.dma_semaphore, #tpu.memory_space<semaphore_mem>>) src(%arg0 : memref<200x4096xf32, #tpu.memory_space<vmem>>) dst(%dma_wait3A_742 : memref<200x4096xf32, #tpu.memory_space<any>>)
    %dma_wait3A_743 = arith.constant 29 : i32
    %dma_wait3A_744 = arith.constant 0 : i32
    %dma_wait3A_745 = arith.constant 0 : i32
    %dma_wait3A_746 = tpu.memref_slice %arg2[%dma_wait3A_743, %dma_wait3A_744, %dma_wait3A_745] : memref<128x200x4096xf32, #tpu.memory_space<any>> -> memref<1x200x4096xf32, #tpu.memory_space<any>>
    %dma_wait3A_747 = tpu.memref_squeeze %dma_wait3A_746 : memref<1x200x4096xf32, #tpu.memory_space<any>> -> memref<200x4096xf32, #tpu.memory_space<any>>
    tpu.wait_dma2 semaphore(%arg8 : memref<!tpu.dma_semaphore, #tpu.memory_space<semaphore_mem>>) src(%arg0 : memref<200x4096xf32, #tpu.memory_space<vmem>>) dst(%dma_wait3A_747 : memref<200x4096xf32, #tpu.memory_space<any>>)
    %dma_wait3A_748 = arith.constant 30 : i32
    %dma_wait3A_749 = arith.constant 0 : i32
    %dma_wait3A_750 = arith.constant 0 : i32
    %dma_wait3A_751 = tpu.memref_slice %arg2[%dma_wait3A_748, %dma_wait3A_749, %dma_wait3A_750] : memref<128x200x4096xf32, #tpu.memory_space<any>> -> memref<1x200x4096xf32, #tpu.memory_space<any>>
    %dma_wait3A_752 = tpu.memref_squeeze %dma_wait3A_751 : memref<1x200x4096xf32, #tpu.memory_space<any>> -> memref<200x4096xf32, #tpu.memory_space<any>>
    tpu.wait_dma2 semaphore(%arg9 : memref<!tpu.dma_semaphore, #tpu.memory_space<semaphore_mem>>) src(%arg0 : memref<200x4096xf32, #tpu.memory_space<vmem>>) dst(%dma_wait3A_752 : memref<200x4096xf32, #tpu.memory_space<any>>)
    %dma_wait3A_753 = arith.constant 31 : i32
    %dma_wait3A_754 = arith.constant 0 : i32
    %dma_wait3A_755 = arith.constant 0 : i32
    %dma_wait3A_756 = tpu.memref_slice %arg2[%dma_wait3A_753, %dma_wait3A_754, %dma_wait3A_755] : memref<128x200x4096xf32, #tpu.memory_space<any>> -> memref<1x200x4096xf32, #tpu.memory_space<any>>
    %dma_wait3A_757 = tpu.memref_squeeze %dma_wait3A_756 : memref<1x200x4096xf32, #tpu.memory_space<any>> -> memref<200x4096xf32, #tpu.memory_space<any>>
    tpu.wait_dma2 semaphore(%arg10 : memref<!tpu.dma_semaphore, #tpu.memory_space<semaphore_mem>>) src(%arg0 : memref<200x4096xf32, #tpu.memory_space<vmem>>) dst(%dma_wait3A_757 : memref<200x4096xf32, #tpu.memory_space<any>>)
    %dma_wait3A_758 = arith.constant 32 : i32
    %dma_wait3A_759 = arith.constant 0 : i32
    %dma_wait3A_760 = arith.constant 0 : i32
    %dma_wait3A_761 = tpu.memref_slice %arg2[%dma_wait3A_758, %dma_wait3A_759, %dma_wait3A_760] : memref<128x200x4096xf32, #tpu.memory_space<any>> -> memref<1x200x4096xf32, #tpu.memory_space<any>>
    %dma_wait3A_762 = tpu.memref_squeeze %dma_wait3A_761 : memref<1x200x4096xf32, #tpu.memory_space<any>> -> memref<200x4096xf32, #tpu.memory_space<any>>
    tpu.wait_dma2 semaphore(%arg3 : memref<!tpu.dma_semaphore, #tpu.memory_space<semaphore_mem>>) src(%arg0 : memref<200x4096xf32, #tpu.memory_space<vmem>>) dst(%dma_wait3A_762 : memref<200x4096xf32, #tpu.memory_space<any>>)
    %dma_wait3A_763 = arith.constant 33 : i32
    %dma_wait3A_764 = arith.constant 0 : i32
    %dma_wait3A_765 = arith.constant 0 : i32
    %dma_wait3A_766 = tpu.memref_slice %arg2[%dma_wait3A_763, %dma_wait3A_764, %dma_wait3A_765] : memref<128x200x4096xf32, #tpu.memory_space<any>> -> memref<1x200x4096xf32, #tpu.memory_space<any>>
    %dma_wait3A_767 = tpu.memref_squeeze %dma_wait3A_766 : memref<1x200x4096xf32, #tpu.memory_space<any>> -> memref<200x4096xf32, #tpu.memory_space<any>>
    tpu.wait_dma2 semaphore(%arg4 : memref<!tpu.dma_semaphore, #tpu.memory_space<semaphore_mem>>) src(%arg0 : memref<200x4096xf32, #tpu.memory_space<vmem>>) dst(%dma_wait3A_767 : memref<200x4096xf32, #tpu.memory_space<any>>)
    %dma_wait3A_768 = arith.constant 34 : i32
    %dma_wait3A_769 = arith.constant 0 : i32
    %dma_wait3A_770 = arith.constant 0 : i32
    %dma_wait3A_771 = tpu.memref_slice %arg2[%dma_wait3A_768, %dma_wait3A_769, %dma_wait3A_770] : memref<128x200x4096xf32, #tpu.memory_space<any>> -> memref<1x200x4096xf32, #tpu.memory_space<any>>
    %dma_wait3A_772 = tpu.memref_squeeze %dma_wait3A_771 : memref<1x200x4096xf32, #tpu.memory_space<any>> -> memref<200x4096xf32, #tpu.memory_space<any>>
    tpu.wait_dma2 semaphore(%arg5 : memref<!tpu.dma_semaphore, #tpu.memory_space<semaphore_mem>>) src(%arg0 : memref<200x4096xf32, #tpu.memory_space<vmem>>) dst(%dma_wait3A_772 : memref<200x4096xf32, #tpu.memory_space<any>>)
    %dma_wait3A_773 = arith.constant 35 : i32
    %dma_wait3A_774 = arith.constant 0 : i32
    %dma_wait3A_775 = arith.constant 0 : i32
    %dma_wait3A_776 = tpu.memref_slice %arg2[%dma_wait3A_773, %dma_wait3A_774, %dma_wait3A_775] : memref<128x200x4096xf32, #tpu.memory_space<any>> -> memref<1x200x4096xf32, #tpu.memory_space<any>>
    %dma_wait3A_777 = tpu.memref_squeeze %dma_wait3A_776 : memref<1x200x4096xf32, #tpu.memory_space<any>> -> memref<200x4096xf32, #tpu.memory_space<any>>
    tpu.wait_dma2 semaphore(%arg6 : memref<!tpu.dma_semaphore, #tpu.memory_space<semaphore_mem>>) src(%arg0 : memref<200x4096xf32, #tpu.memory_space<vmem>>) dst(%dma_wait3A_777 : memref<200x4096xf32, #tpu.memory_space<any>>)
    %dma_wait3A_778 = arith.constant 36 : i32
    %dma_wait3A_779 = arith.constant 0 : i32
    %dma_wait3A_780 = arith.constant 0 : i32
    %dma_wait3A_781 = tpu.memref_slice %arg2[%dma_wait3A_778, %dma_wait3A_779, %dma_wait3A_780] : memref<128x200x4096xf32, #tpu.memory_space<any>> -> memref<1x200x4096xf32, #tpu.memory_space<any>>
    %dma_wait3A_782 = tpu.memref_squeeze %dma_wait3A_781 : memref<1x200x4096xf32, #tpu.memory_space<any>> -> memref<200x4096xf32, #tpu.memory_space<any>>
    tpu.wait_dma2 semaphore(%arg7 : memref<!tpu.dma_semaphore, #tpu.memory_space<semaphore_mem>>) src(%arg0 : memref<200x4096xf32, #tpu.memory_space<vmem>>) dst(%dma_wait3A_782 : memref<200x4096xf32, #tpu.memory_space<any>>)
    %dma_wait3A_783 = arith.constant 37 : i32
    %dma_wait3A_784 = arith.constant 0 : i32
    %dma_wait3A_785 = arith.constant 0 : i32
    %dma_wait3A_786 = tpu.memref_slice %arg2[%dma_wait3A_783, %dma_wait3A_784, %dma_wait3A_785] : memref<128x200x4096xf32, #tpu.memory_space<any>> -> memref<1x200x4096xf32, #tpu.memory_space<any>>
    %dma_wait3A_787 = tpu.memref_squeeze %dma_wait3A_786 : memref<1x200x4096xf32, #tpu.memory_space<any>> -> memref<200x4096xf32, #tpu.memory_space<any>>
    tpu.wait_dma2 semaphore(%arg8 : memref<!tpu.dma_semaphore, #tpu.memory_space<semaphore_mem>>) src(%arg0 : memref<200x4096xf32, #tpu.memory_space<vmem>>) dst(%dma_wait3A_787 : memref<200x4096xf32, #tpu.memory_space<any>>)
    %dma_wait3A_788 = arith.constant 38 : i32
    %dma_wait3A_789 = arith.constant 0 : i32
    %dma_wait3A_790 = arith.constant 0 : i32
    %dma_wait3A_791 = tpu.memref_slice %arg2[%dma_wait3A_788, %dma_wait3A_789, %dma_wait3A_790] : memref<128x200x4096xf32, #tpu.memory_space<any>> -> memref<1x200x4096xf32, #tpu.memory_space<any>>
    %dma_wait3A_792 = tpu.memref_squeeze %dma_wait3A_791 : memref<1x200x4096xf32, #tpu.memory_space<any>> -> memref<200x4096xf32, #tpu.memory_space<any>>
    tpu.wait_dma2 semaphore(%arg9 : memref<!tpu.dma_semaphore, #tpu.memory_space<semaphore_mem>>) src(%arg0 : memref<200x4096xf32, #tpu.memory_space<vmem>>) dst(%dma_wait3A_792 : memref<200x4096xf32, #tpu.memory_space<any>>)
    %dma_wait3A_793 = arith.constant 39 : i32
    %dma_wait3A_794 = arith.constant 0 : i32
    %dma_wait3A_795 = arith.constant 0 : i32
    %dma_wait3A_796 = tpu.memref_slice %arg2[%dma_wait3A_793, %dma_wait3A_794, %dma_wait3A_795] : memref<128x200x4096xf32, #tpu.memory_space<any>> -> memref<1x200x4096xf32, #tpu.memory_space<any>>
    %dma_wait3A_797 = tpu.memref_squeeze %dma_wait3A_796 : memref<1x200x4096xf32, #tpu.memory_space<any>> -> memref<200x4096xf32, #tpu.memory_space<any>>
    tpu.wait_dma2 semaphore(%arg10 : memref<!tpu.dma_semaphore, #tpu.memory_space<semaphore_mem>>) src(%arg0 : memref<200x4096xf32, #tpu.memory_space<vmem>>) dst(%dma_wait3A_797 : memref<200x4096xf32, #tpu.memory_space<any>>)
    %dma_wait3A_798 = arith.constant 40 : i32
    %dma_wait3A_799 = arith.constant 0 : i32
    %dma_wait3A_800 = arith.constant 0 : i32
    %dma_wait3A_801 = tpu.memref_slice %arg2[%dma_wait3A_798, %dma_wait3A_799, %dma_wait3A_800] : memref<128x200x4096xf32, #tpu.memory_space<any>> -> memref<1x200x4096xf32, #tpu.memory_space<any>>
    %dma_wait3A_802 = tpu.memref_squeeze %dma_wait3A_801 : memref<1x200x4096xf32, #tpu.memory_space<any>> -> memref<200x4096xf32, #tpu.memory_space<any>>
    tpu.wait_dma2 semaphore(%arg3 : memref<!tpu.dma_semaphore, #tpu.memory_space<semaphore_mem>>) src(%arg0 : memref<200x4096xf32, #tpu.memory_space<vmem>>) dst(%dma_wait3A_802 : memref<200x4096xf32, #tpu.memory_space<any>>)
    %dma_wait3A_803 = arith.constant 41 : i32
    %dma_wait3A_804 = arith.constant 0 : i32
    %dma_wait3A_805 = arith.constant 0 : i32
    %dma_wait3A_806 = tpu.memref_slice %arg2[%dma_wait3A_803, %dma_wait3A_804, %dma_wait3A_805] : memref<128x200x4096xf32, #tpu.memory_space<any>> -> memref<1x200x4096xf32, #tpu.memory_space<any>>
    %dma_wait3A_807 = tpu.memref_squeeze %dma_wait3A_806 : memref<1x200x4096xf32, #tpu.memory_space<any>> -> memref<200x4096xf32, #tpu.memory_space<any>>
    tpu.wait_dma2 semaphore(%arg4 : memref<!tpu.dma_semaphore, #tpu.memory_space<semaphore_mem>>) src(%arg0 : memref<200x4096xf32, #tpu.memory_space<vmem>>) dst(%dma_wait3A_807 : memref<200x4096xf32, #tpu.memory_space<any>>)
    %dma_wait3A_808 = arith.constant 42 : i32
    %dma_wait3A_809 = arith.constant 0 : i32
    %dma_wait3A_810 = arith.constant 0 : i32
    %dma_wait3A_811 = tpu.memref_slice %arg2[%dma_wait3A_808, %dma_wait3A_809, %dma_wait3A_810] : memref<128x200x4096xf32, #tpu.memory_space<any>> -> memref<1x200x4096xf32, #tpu.memory_space<any>>
    %dma_wait3A_812 = tpu.memref_squeeze %dma_wait3A_811 : memref<1x200x4096xf32, #tpu.memory_space<any>> -> memref<200x4096xf32, #tpu.memory_space<any>>
    tpu.wait_dma2 semaphore(%arg5 : memref<!tpu.dma_semaphore, #tpu.memory_space<semaphore_mem>>) src(%arg0 : memref<200x4096xf32, #tpu.memory_space<vmem>>) dst(%dma_wait3A_812 : memref<200x4096xf32, #tpu.memory_space<any>>)
    %dma_wait3A_813 = arith.constant 43 : i32
    %dma_wait3A_814 = arith.constant 0 : i32
    %dma_wait3A_815 = arith.constant 0 : i32
    %dma_wait3A_816 = tpu.memref_slice %arg2[%dma_wait3A_813, %dma_wait3A_814, %dma_wait3A_815] : memref<128x200x4096xf32, #tpu.memory_space<any>> -> memref<1x200x4096xf32, #tpu.memory_space<any>>
    %dma_wait3A_817 = tpu.memref_squeeze %dma_wait3A_816 : memref<1x200x4096xf32, #tpu.memory_space<any>> -> memref<200x4096xf32, #tpu.memory_space<any>>
    tpu.wait_dma2 semaphore(%arg6 : memref<!tpu.dma_semaphore, #tpu.memory_space<semaphore_mem>>) src(%arg0 : memref<200x4096xf32, #tpu.memory_space<vmem>>) dst(%dma_wait3A_817 : memref<200x4096xf32, #tpu.memory_space<any>>)
    %dma_wait3A_818 = arith.constant 44 : i32
    %dma_wait3A_819 = arith.constant 0 : i32
    %dma_wait3A_820 = arith.constant 0 : i32
    %dma_wait3A_821 = tpu.memref_slice %arg2[%dma_wait3A_818, %dma_wait3A_819, %dma_wait3A_820] : memref<128x200x4096xf32, #tpu.memory_space<any>> -> memref<1x200x4096xf32, #tpu.memory_space<any>>
    %dma_wait3A_822 = tpu.memref_squeeze %dma_wait3A_821 : memref<1x200x4096xf32, #tpu.memory_space<any>> -> memref<200x4096xf32, #tpu.memory_space<any>>
    tpu.wait_dma2 semaphore(%arg7 : memref<!tpu.dma_semaphore, #tpu.memory_space<semaphore_mem>>) src(%arg0 : memref<200x4096xf32, #tpu.memory_space<vmem>>) dst(%dma_wait3A_822 : memref<200x4096xf32, #tpu.memory_space<any>>)
    %dma_wait3A_823 = arith.constant 45 : i32
    %dma_wait3A_824 = arith.constant 0 : i32
    %dma_wait3A_825 = arith.constant 0 : i32
    %dma_wait3A_826 = tpu.memref_slice %arg2[%dma_wait3A_823, %dma_wait3A_824, %dma_wait3A_825] : memref<128x200x4096xf32, #tpu.memory_space<any>> -> memref<1x200x4096xf32, #tpu.memory_space<any>>
    %dma_wait3A_827 = tpu.memref_squeeze %dma_wait3A_826 : memref<1x200x4096xf32, #tpu.memory_space<any>> -> memref<200x4096xf32, #tpu.memory_space<any>>
    tpu.wait_dma2 semaphore(%arg8 : memref<!tpu.dma_semaphore, #tpu.memory_space<semaphore_mem>>) src(%arg0 : memref<200x4096xf32, #tpu.memory_space<vmem>>) dst(%dma_wait3A_827 : memref<200x4096xf32, #tpu.memory_space<any>>)
    %dma_wait3A_828 = arith.constant 46 : i32
    %dma_wait3A_829 = arith.constant 0 : i32
    %dma_wait3A_830 = arith.constant 0 : i32
    %dma_wait3A_831 = tpu.memref_slice %arg2[%dma_wait3A_828, %dma_wait3A_829, %dma_wait3A_830] : memref<128x200x4096xf32, #tpu.memory_space<any>> -> memref<1x200x4096xf32, #tpu.memory_space<any>>
    %dma_wait3A_832 = tpu.memref_squeeze %dma_wait3A_831 : memref<1x200x4096xf32, #tpu.memory_space<any>> -> memref<200x4096xf32, #tpu.memory_space<any>>
    tpu.wait_dma2 semaphore(%arg9 : memref<!tpu.dma_semaphore, #tpu.memory_space<semaphore_mem>>) src(%arg0 : memref<200x4096xf32, #tpu.memory_space<vmem>>) dst(%dma_wait3A_832 : memref<200x4096xf32, #tpu.memory_space<any>>)
    %dma_wait3A_833 = arith.constant 47 : i32
    %dma_wait3A_834 = arith.constant 0 : i32
    %dma_wait3A_835 = arith.constant 0 : i32
    %dma_wait3A_836 = tpu.memref_slice %arg2[%dma_wait3A_833, %dma_wait3A_834, %dma_wait3A_835] : memref<128x200x4096xf32, #tpu.memory_space<any>> -> memref<1x200x4096xf32, #tpu.memory_space<any>>
    %dma_wait3A_837 = tpu.memref_squeeze %dma_wait3A_836 : memref<1x200x4096xf32, #tpu.memory_space<any>> -> memref<200x4096xf32, #tpu.memory_space<any>>
    tpu.wait_dma2 semaphore(%arg10 : memref<!tpu.dma_semaphore, #tpu.memory_space<semaphore_mem>>) src(%arg0 : memref<200x4096xf32, #tpu.memory_space<vmem>>) dst(%dma_wait3A_837 : memref<200x4096xf32, #tpu.memory_space<any>>)
    %dma_wait3A_838 = arith.constant 48 : i32
    %dma_wait3A_839 = arith.constant 0 : i32
    %dma_wait3A_840 = arith.constant 0 : i32
    %dma_wait3A_841 = tpu.memref_slice %arg2[%dma_wait3A_838, %dma_wait3A_839, %dma_wait3A_840] : memref<128x200x4096xf32, #tpu.memory_space<any>> -> memref<1x200x4096xf32, #tpu.memory_space<any>>
    %dma_wait3A_842 = tpu.memref_squeeze %dma_wait3A_841 : memref<1x200x4096xf32, #tpu.memory_space<any>> -> memref<200x4096xf32, #tpu.memory_space<any>>
    tpu.wait_dma2 semaphore(%arg3 : memref<!tpu.dma_semaphore, #tpu.memory_space<semaphore_mem>>) src(%arg0 : memref<200x4096xf32, #tpu.memory_space<vmem>>) dst(%dma_wait3A_842 : memref<200x4096xf32, #tpu.memory_space<any>>)
    %dma_wait3A_843 = arith.constant 49 : i32
    %dma_wait3A_844 = arith.constant 0 : i32
    %dma_wait3A_845 = arith.constant 0 : i32
    %dma_wait3A_846 = tpu.memref_slice %arg2[%dma_wait3A_843, %dma_wait3A_844, %dma_wait3A_845] : memref<128x200x4096xf32, #tpu.memory_space<any>> -> memref<1x200x4096xf32, #tpu.memory_space<any>>
    %dma_wait3A_847 = tpu.memref_squeeze %dma_wait3A_846 : memref<1x200x4096xf32, #tpu.memory_space<any>> -> memref<200x4096xf32, #tpu.memory_space<any>>
    tpu.wait_dma2 semaphore(%arg4 : memref<!tpu.dma_semaphore, #tpu.memory_space<semaphore_mem>>) src(%arg0 : memref<200x4096xf32, #tpu.memory_space<vmem>>) dst(%dma_wait3A_847 : memref<200x4096xf32, #tpu.memory_space<any>>)
    %dma_wait3A_848 = arith.constant 50 : i32
    %dma_wait3A_849 = arith.constant 0 : i32
    %dma_wait3A_850 = arith.constant 0 : i32
    %dma_wait3A_851 = tpu.memref_slice %arg2[%dma_wait3A_848, %dma_wait3A_849, %dma_wait3A_850] : memref<128x200x4096xf32, #tpu.memory_space<any>> -> memref<1x200x4096xf32, #tpu.memory_space<any>>
    %dma_wait3A_852 = tpu.memref_squeeze %dma_wait3A_851 : memref<1x200x4096xf32, #tpu.memory_space<any>> -> memref<200x4096xf32, #tpu.memory_space<any>>
    tpu.wait_dma2 semaphore(%arg5 : memref<!tpu.dma_semaphore, #tpu.memory_space<semaphore_mem>>) src(%arg0 : memref<200x4096xf32, #tpu.memory_space<vmem>>) dst(%dma_wait3A_852 : memref<200x4096xf32, #tpu.memory_space<any>>)
    %dma_wait3A_853 = arith.constant 51 : i32
    %dma_wait3A_854 = arith.constant 0 : i32
    %dma_wait3A_855 = arith.constant 0 : i32
    %dma_wait3A_856 = tpu.memref_slice %arg2[%dma_wait3A_853, %dma_wait3A_854, %dma_wait3A_855] : memref<128x200x4096xf32, #tpu.memory_space<any>> -> memref<1x200x4096xf32, #tpu.memory_space<any>>
    %dma_wait3A_857 = tpu.memref_squeeze %dma_wait3A_856 : memref<1x200x4096xf32, #tpu.memory_space<any>> -> memref<200x4096xf32, #tpu.memory_space<any>>
    tpu.wait_dma2 semaphore(%arg6 : memref<!tpu.dma_semaphore, #tpu.memory_space<semaphore_mem>>) src(%arg0 : memref<200x4096xf32, #tpu.memory_space<vmem>>) dst(%dma_wait3A_857 : memref<200x4096xf32, #tpu.memory_space<any>>)
    %dma_wait3A_858 = arith.constant 52 : i32
    %dma_wait3A_859 = arith.constant 0 : i32
    %dma_wait3A_860 = arith.constant 0 : i32
    %dma_wait3A_861 = tpu.memref_slice %arg2[%dma_wait3A_858, %dma_wait3A_859, %dma_wait3A_860] : memref<128x200x4096xf32, #tpu.memory_space<any>> -> memref<1x200x4096xf32, #tpu.memory_space<any>>
    %dma_wait3A_862 = tpu.memref_squeeze %dma_wait3A_861 : memref<1x200x4096xf32, #tpu.memory_space<any>> -> memref<200x4096xf32, #tpu.memory_space<any>>
    tpu.wait_dma2 semaphore(%arg7 : memref<!tpu.dma_semaphore, #tpu.memory_space<semaphore_mem>>) src(%arg0 : memref<200x4096xf32, #tpu.memory_space<vmem>>) dst(%dma_wait3A_862 : memref<200x4096xf32, #tpu.memory_space<any>>)
    %dma_wait3A_863 = arith.constant 53 : i32
    %dma_wait3A_864 = arith.constant 0 : i32
    %dma_wait3A_865 = arith.constant 0 : i32
    %dma_wait3A_866 = tpu.memref_slice %arg2[%dma_wait3A_863, %dma_wait3A_864, %dma_wait3A_865] : memref<128x200x4096xf32, #tpu.memory_space<any>> -> memref<1x200x4096xf32, #tpu.memory_space<any>>
    %dma_wait3A_867 = tpu.memref_squeeze %dma_wait3A_866 : memref<1x200x4096xf32, #tpu.memory_space<any>> -> memref<200x4096xf32, #tpu.memory_space<any>>
    tpu.wait_dma2 semaphore(%arg8 : memref<!tpu.dma_semaphore, #tpu.memory_space<semaphore_mem>>) src(%arg0 : memref<200x4096xf32, #tpu.memory_space<vmem>>) dst(%dma_wait3A_867 : memref<200x4096xf32, #tpu.memory_space<any>>)
    %dma_wait3A_868 = arith.constant 54 : i32
    %dma_wait3A_869 = arith.constant 0 : i32
    %dma_wait3A_870 = arith.constant 0 : i32
    %dma_wait3A_871 = tpu.memref_slice %arg2[%dma_wait3A_868, %dma_wait3A_869, %dma_wait3A_870] : memref<128x200x4096xf32, #tpu.memory_space<any>> -> memref<1x200x4096xf32, #tpu.memory_space<any>>
    %dma_wait3A_872 = tpu.memref_squeeze %dma_wait3A_871 : memref<1x200x4096xf32, #tpu.memory_space<any>> -> memref<200x4096xf32, #tpu.memory_space<any>>
    tpu.wait_dma2 semaphore(%arg9 : memref<!tpu.dma_semaphore, #tpu.memory_space<semaphore_mem>>) src(%arg0 : memref<200x4096xf32, #tpu.memory_space<vmem>>) dst(%dma_wait3A_872 : memref<200x4096xf32, #tpu.memory_space<any>>)
    %dma_wait3A_873 = arith.constant 55 : i32
    %dma_wait3A_874 = arith.constant 0 : i32
    %dma_wait3A_875 = arith.constant 0 : i32
    %dma_wait3A_876 = tpu.memref_slice %arg2[%dma_wait3A_873, %dma_wait3A_874, %dma_wait3A_875] : memref<128x200x4096xf32, #tpu.memory_space<any>> -> memref<1x200x4096xf32, #tpu.memory_space<any>>
    %dma_wait3A_877 = tpu.memref_squeeze %dma_wait3A_876 : memref<1x200x4096xf32, #tpu.memory_space<any>> -> memref<200x4096xf32, #tpu.memory_space<any>>
    tpu.wait_dma2 semaphore(%arg10 : memref<!tpu.dma_semaphore, #tpu.memory_space<semaphore_mem>>) src(%arg0 : memref<200x4096xf32, #tpu.memory_space<vmem>>) dst(%dma_wait3A_877 : memref<200x4096xf32, #tpu.memory_space<any>>)
    %dma_wait3A_878 = arith.constant 56 : i32
    %dma_wait3A_879 = arith.constant 0 : i32
    %dma_wait3A_880 = arith.constant 0 : i32
    %dma_wait3A_881 = tpu.memref_slice %arg2[%dma_wait3A_878, %dma_wait3A_879, %dma_wait3A_880] : memref<128x200x4096xf32, #tpu.memory_space<any>> -> memref<1x200x4096xf32, #tpu.memory_space<any>>
    %dma_wait3A_882 = tpu.memref_squeeze %dma_wait3A_881 : memref<1x200x4096xf32, #tpu.memory_space<any>> -> memref<200x4096xf32, #tpu.memory_space<any>>
    tpu.wait_dma2 semaphore(%arg3 : memref<!tpu.dma_semaphore, #tpu.memory_space<semaphore_mem>>) src(%arg0 : memref<200x4096xf32, #tpu.memory_space<vmem>>) dst(%dma_wait3A_882 : memref<200x4096xf32, #tpu.memory_space<any>>)
    %dma_wait3A_883 = arith.constant 57 : i32
    %dma_wait3A_884 = arith.constant 0 : i32
    %dma_wait3A_885 = arith.constant 0 : i32
    %dma_wait3A_886 = tpu.memref_slice %arg2[%dma_wait3A_883, %dma_wait3A_884, %dma_wait3A_885] : memref<128x200x4096xf32, #tpu.memory_space<any>> -> memref<1x200x4096xf32, #tpu.memory_space<any>>
    %dma_wait3A_887 = tpu.memref_squeeze %dma_wait3A_886 : memref<1x200x4096xf32, #tpu.memory_space<any>> -> memref<200x4096xf32, #tpu.memory_space<any>>
    tpu.wait_dma2 semaphore(%arg4 : memref<!tpu.dma_semaphore, #tpu.memory_space<semaphore_mem>>) src(%arg0 : memref<200x4096xf32, #tpu.memory_space<vmem>>) dst(%dma_wait3A_887 : memref<200x4096xf32, #tpu.memory_space<any>>)
    %dma_wait3A_888 = arith.constant 58 : i32
    %dma_wait3A_889 = arith.constant 0 : i32
    %dma_wait3A_890 = arith.constant 0 : i32
    %dma_wait3A_891 = tpu.memref_slice %arg2[%dma_wait3A_888, %dma_wait3A_889, %dma_wait3A_890] : memref<128x200x4096xf32, #tpu.memory_space<any>> -> memref<1x200x4096xf32, #tpu.memory_space<any>>
    %dma_wait3A_892 = tpu.memref_squeeze %dma_wait3A_891 : memref<1x200x4096xf32, #tpu.memory_space<any>> -> memref<200x4096xf32, #tpu.memory_space<any>>
    tpu.wait_dma2 semaphore(%arg5 : memref<!tpu.dma_semaphore, #tpu.memory_space<semaphore_mem>>) src(%arg0 : memref<200x4096xf32, #tpu.memory_space<vmem>>) dst(%dma_wait3A_892 : memref<200x4096xf32, #tpu.memory_space<any>>)
    %dma_wait3A_893 = arith.constant 59 : i32
    %dma_wait3A_894 = arith.constant 0 : i32
    %dma_wait3A_895 = arith.constant 0 : i32
    %dma_wait3A_896 = tpu.memref_slice %arg2[%dma_wait3A_893, %dma_wait3A_894, %dma_wait3A_895] : memref<128x200x4096xf32, #tpu.memory_space<any>> -> memref<1x200x4096xf32, #tpu.memory_space<any>>
    %dma_wait3A_897 = tpu.memref_squeeze %dma_wait3A_896 : memref<1x200x4096xf32, #tpu.memory_space<any>> -> memref<200x4096xf32, #tpu.memory_space<any>>
    tpu.wait_dma2 semaphore(%arg6 : memref<!tpu.dma_semaphore, #tpu.memory_space<semaphore_mem>>) src(%arg0 : memref<200x4096xf32, #tpu.memory_space<vmem>>) dst(%dma_wait3A_897 : memref<200x4096xf32, #tpu.memory_space<any>>)
    %dma_wait3A_898 = arith.constant 60 : i32
    %dma_wait3A_899 = arith.constant 0 : i32
    %dma_wait3A_900 = arith.constant 0 : i32
    %dma_wait3A_901 = tpu.memref_slice %arg2[%dma_wait3A_898, %dma_wait3A_899, %dma_wait3A_900] : memref<128x200x4096xf32, #tpu.memory_space<any>> -> memref<1x200x4096xf32, #tpu.memory_space<any>>
    %dma_wait3A_902 = tpu.memref_squeeze %dma_wait3A_901 : memref<1x200x4096xf32, #tpu.memory_space<any>> -> memref<200x4096xf32, #tpu.memory_space<any>>
    tpu.wait_dma2 semaphore(%arg7 : memref<!tpu.dma_semaphore, #tpu.memory_space<semaphore_mem>>) src(%arg0 : memref<200x4096xf32, #tpu.memory_space<vmem>>) dst(%dma_wait3A_902 : memref<200x4096xf32, #tpu.memory_space<any>>)
    %dma_wait3A_903 = arith.constant 61 : i32
    %dma_wait3A_904 = arith.constant 0 : i32
    %dma_wait3A_905 = arith.constant 0 : i32
    %dma_wait3A_906 = tpu.memref_slice %arg2[%dma_wait3A_903, %dma_wait3A_904, %dma_wait3A_905] : memref<128x200x4096xf32, #tpu.memory_space<any>> -> memref<1x200x4096xf32, #tpu.memory_space<any>>
    %dma_wait3A_907 = tpu.memref_squeeze %dma_wait3A_906 : memref<1x200x4096xf32, #tpu.memory_space<any>> -> memref<200x4096xf32, #tpu.memory_space<any>>
    tpu.wait_dma2 semaphore(%arg8 : memref<!tpu.dma_semaphore, #tpu.memory_space<semaphore_mem>>) src(%arg0 : memref<200x4096xf32, #tpu.memory_space<vmem>>) dst(%dma_wait3A_907 : memref<200x4096xf32, #tpu.memory_space<any>>)
    %dma_wait3A_908 = arith.constant 62 : i32
    %dma_wait3A_909 = arith.constant 0 : i32
    %dma_wait3A_910 = arith.constant 0 : i32
    %dma_wait3A_911 = tpu.memref_slice %arg2[%dma_wait3A_908, %dma_wait3A_909, %dma_wait3A_910] : memref<128x200x4096xf32, #tpu.memory_space<any>> -> memref<1x200x4096xf32, #tpu.memory_space<any>>
    %dma_wait3A_912 = tpu.memref_squeeze %dma_wait3A_911 : memref<1x200x4096xf32, #tpu.memory_space<any>> -> memref<200x4096xf32, #tpu.memory_space<any>>
    tpu.wait_dma2 semaphore(%arg9 : memref<!tpu.dma_semaphore, #tpu.memory_space<semaphore_mem>>) src(%arg0 : memref<200x4096xf32, #tpu.memory_space<vmem>>) dst(%dma_wait3A_912 : memref<200x4096xf32, #tpu.memory_space<any>>)
    %dma_wait3A_913 = arith.constant 63 : i32
    %dma_wait3A_914 = arith.constant 0 : i32
    %dma_wait3A_915 = arith.constant 0 : i32
    %dma_wait3A_916 = tpu.memref_slice %arg2[%dma_wait3A_913, %dma_wait3A_914, %dma_wait3A_915] : memref<128x200x4096xf32, #tpu.memory_space<any>> -> memref<1x200x4096xf32, #tpu.memory_space<any>>
    %dma_wait3A_917 = tpu.memref_squeeze %dma_wait3A_916 : memref<1x200x4096xf32, #tpu.memory_space<any>> -> memref<200x4096xf32, #tpu.memory_space<any>>
    tpu.wait_dma2 semaphore(%arg10 : memref<!tpu.dma_semaphore, #tpu.memory_space<semaphore_mem>>) src(%arg0 : memref<200x4096xf32, #tpu.memory_space<vmem>>) dst(%dma_wait3A_917 : memref<200x4096xf32, #tpu.memory_space<any>>)
    %dma_wait3A_918 = arith.constant 64 : i32
    %dma_wait3A_919 = arith.constant 0 : i32
    %dma_wait3A_920 = arith.constant 0 : i32
    %dma_wait3A_921 = tpu.memref_slice %arg2[%dma_wait3A_918, %dma_wait3A_919, %dma_wait3A_920] : memref<128x200x4096xf32, #tpu.memory_space<any>> -> memref<1x200x4096xf32, #tpu.memory_space<any>>
    %dma_wait3A_922 = tpu.memref_squeeze %dma_wait3A_921 : memref<1x200x4096xf32, #tpu.memory_space<any>> -> memref<200x4096xf32, #tpu.memory_space<any>>
    tpu.wait_dma2 semaphore(%arg3 : memref<!tpu.dma_semaphore, #tpu.memory_space<semaphore_mem>>) src(%arg0 : memref<200x4096xf32, #tpu.memory_space<vmem>>) dst(%dma_wait3A_922 : memref<200x4096xf32, #tpu.memory_space<any>>)
    %dma_wait3A_923 = arith.constant 65 : i32
    %dma_wait3A_924 = arith.constant 0 : i32
    %dma_wait3A_925 = arith.constant 0 : i32
    %dma_wait3A_926 = tpu.memref_slice %arg2[%dma_wait3A_923, %dma_wait3A_924, %dma_wait3A_925] : memref<128x200x4096xf32, #tpu.memory_space<any>> -> memref<1x200x4096xf32, #tpu.memory_space<any>>
    %dma_wait3A_927 = tpu.memref_squeeze %dma_wait3A_926 : memref<1x200x4096xf32, #tpu.memory_space<any>> -> memref<200x4096xf32, #tpu.memory_space<any>>
    tpu.wait_dma2 semaphore(%arg4 : memref<!tpu.dma_semaphore, #tpu.memory_space<semaphore_mem>>) src(%arg0 : memref<200x4096xf32, #tpu.memory_space<vmem>>) dst(%dma_wait3A_927 : memref<200x4096xf32, #tpu.memory_space<any>>)
    %dma_wait3A_928 = arith.constant 66 : i32
    %dma_wait3A_929 = arith.constant 0 : i32
    %dma_wait3A_930 = arith.constant 0 : i32
    %dma_wait3A_931 = tpu.memref_slice %arg2[%dma_wait3A_928, %dma_wait3A_929, %dma_wait3A_930] : memref<128x200x4096xf32, #tpu.memory_space<any>> -> memref<1x200x4096xf32, #tpu.memory_space<any>>
    %dma_wait3A_932 = tpu.memref_squeeze %dma_wait3A_931 : memref<1x200x4096xf32, #tpu.memory_space<any>> -> memref<200x4096xf32, #tpu.memory_space<any>>
    tpu.wait_dma2 semaphore(%arg5 : memref<!tpu.dma_semaphore, #tpu.memory_space<semaphore_mem>>) src(%arg0 : memref<200x4096xf32, #tpu.memory_space<vmem>>) dst(%dma_wait3A_932 : memref<200x4096xf32, #tpu.memory_space<any>>)
    %dma_wait3A_933 = arith.constant 67 : i32
    %dma_wait3A_934 = arith.constant 0 : i32
    %dma_wait3A_935 = arith.constant 0 : i32
    %dma_wait3A_936 = tpu.memref_slice %arg2[%dma_wait3A_933, %dma_wait3A_934, %dma_wait3A_935] : memref<128x200x4096xf32, #tpu.memory_space<any>> -> memref<1x200x4096xf32, #tpu.memory_space<any>>
    %dma_wait3A_937 = tpu.memref_squeeze %dma_wait3A_936 : memref<1x200x4096xf32, #tpu.memory_space<any>> -> memref<200x4096xf32, #tpu.memory_space<any>>
    tpu.wait_dma2 semaphore(%arg6 : memref<!tpu.dma_semaphore, #tpu.memory_space<semaphore_mem>>) src(%arg0 : memref<200x4096xf32, #tpu.memory_space<vmem>>) dst(%dma_wait3A_937 : memref<200x4096xf32, #tpu.memory_space<any>>)
    %dma_wait3A_938 = arith.constant 68 : i32
    %dma_wait3A_939 = arith.constant 0 : i32
    %dma_wait3A_940 = arith.constant 0 : i32
    %dma_wait3A_941 = tpu.memref_slice %arg2[%dma_wait3A_938, %dma_wait3A_939, %dma_wait3A_940] : memref<128x200x4096xf32, #tpu.memory_space<any>> -> memref<1x200x4096xf32, #tpu.memory_space<any>>
    %dma_wait3A_942 = tpu.memref_squeeze %dma_wait3A_941 : memref<1x200x4096xf32, #tpu.memory_space<any>> -> memref<200x4096xf32, #tpu.memory_space<any>>
    tpu.wait_dma2 semaphore(%arg7 : memref<!tpu.dma_semaphore, #tpu.memory_space<semaphore_mem>>) src(%arg0 : memref<200x4096xf32, #tpu.memory_space<vmem>>) dst(%dma_wait3A_942 : memref<200x4096xf32, #tpu.memory_space<any>>)
    %dma_wait3A_943 = arith.constant 69 : i32
    %dma_wait3A_944 = arith.constant 0 : i32
    %dma_wait3A_945 = arith.constant 0 : i32
    %dma_wait3A_946 = tpu.memref_slice %arg2[%dma_wait3A_943, %dma_wait3A_944, %dma_wait3A_945] : memref<128x200x4096xf32, #tpu.memory_space<any>> -> memref<1x200x4096xf32, #tpu.memory_space<any>>
    %dma_wait3A_947 = tpu.memref_squeeze %dma_wait3A_946 : memref<1x200x4096xf32, #tpu.memory_space<any>> -> memref<200x4096xf32, #tpu.memory_space<any>>
    tpu.wait_dma2 semaphore(%arg8 : memref<!tpu.dma_semaphore, #tpu.memory_space<semaphore_mem>>) src(%arg0 : memref<200x4096xf32, #tpu.memory_space<vmem>>) dst(%dma_wait3A_947 : memref<200x4096xf32, #tpu.memory_space<any>>)
    %dma_wait3A_948 = arith.constant 70 : i32
    %dma_wait3A_949 = arith.constant 0 : i32
    %dma_wait3A_950 = arith.constant 0 : i32
    %dma_wait3A_951 = tpu.memref_slice %arg2[%dma_wait3A_948, %dma_wait3A_949, %dma_wait3A_950] : memref<128x200x4096xf32, #tpu.memory_space<any>> -> memref<1x200x4096xf32, #tpu.memory_space<any>>
    %dma_wait3A_952 = tpu.memref_squeeze %dma_wait3A_951 : memref<1x200x4096xf32, #tpu.memory_space<any>> -> memref<200x4096xf32, #tpu.memory_space<any>>
    tpu.wait_dma2 semaphore(%arg9 : memref<!tpu.dma_semaphore, #tpu.memory_space<semaphore_mem>>) src(%arg0 : memref<200x4096xf32, #tpu.memory_space<vmem>>) dst(%dma_wait3A_952 : memref<200x4096xf32, #tpu.memory_space<any>>)
    %dma_wait3A_953 = arith.constant 71 : i32
    %dma_wait3A_954 = arith.constant 0 : i32
    %dma_wait3A_955 = arith.constant 0 : i32
    %dma_wait3A_956 = tpu.memref_slice %arg2[%dma_wait3A_953, %dma_wait3A_954, %dma_wait3A_955] : memref<128x200x4096xf32, #tpu.memory_space<any>> -> memref<1x200x4096xf32, #tpu.memory_space<any>>
    %dma_wait3A_957 = tpu.memref_squeeze %dma_wait3A_956 : memref<1x200x4096xf32, #tpu.memory_space<any>> -> memref<200x4096xf32, #tpu.memory_space<any>>
    tpu.wait_dma2 semaphore(%arg10 : memref<!tpu.dma_semaphore, #tpu.memory_space<semaphore_mem>>) src(%arg0 : memref<200x4096xf32, #tpu.memory_space<vmem>>) dst(%dma_wait3A_957 : memref<200x4096xf32, #tpu.memory_space<any>>)
    %dma_wait3A_958 = arith.constant 72 : i32
    %dma_wait3A_959 = arith.constant 0 : i32
    %dma_wait3A_960 = arith.constant 0 : i32
    %dma_wait3A_961 = tpu.memref_slice %arg2[%dma_wait3A_958, %dma_wait3A_959, %dma_wait3A_960] : memref<128x200x4096xf32, #tpu.memory_space<any>> -> memref<1x200x4096xf32, #tpu.memory_space<any>>
    %dma_wait3A_962 = tpu.memref_squeeze %dma_wait3A_961 : memref<1x200x4096xf32, #tpu.memory_space<any>> -> memref<200x4096xf32, #tpu.memory_space<any>>
    tpu.wait_dma2 semaphore(%arg3 : memref<!tpu.dma_semaphore, #tpu.memory_space<semaphore_mem>>) src(%arg0 : memref<200x4096xf32, #tpu.memory_space<vmem>>) dst(%dma_wait3A_962 : memref<200x4096xf32, #tpu.memory_space<any>>)
    %dma_wait3A_963 = arith.constant 73 : i32
    %dma_wait3A_964 = arith.constant 0 : i32
    %dma_wait3A_965 = arith.constant 0 : i32
    %dma_wait3A_966 = tpu.memref_slice %arg2[%dma_wait3A_963, %dma_wait3A_964, %dma_wait3A_965] : memref<128x200x4096xf32, #tpu.memory_space<any>> -> memref<1x200x4096xf32, #tpu.memory_space<any>>
    %dma_wait3A_967 = tpu.memref_squeeze %dma_wait3A_966 : memref<1x200x4096xf32, #tpu.memory_space<any>> -> memref<200x4096xf32, #tpu.memory_space<any>>
    tpu.wait_dma2 semaphore(%arg4 : memref<!tpu.dma_semaphore, #tpu.memory_space<semaphore_mem>>) src(%arg0 : memref<200x4096xf32, #tpu.memory_space<vmem>>) dst(%dma_wait3A_967 : memref<200x4096xf32, #tpu.memory_space<any>>)
    %dma_wait3A_968 = arith.constant 74 : i32
    %dma_wait3A_969 = arith.constant 0 : i32
    %dma_wait3A_970 = arith.constant 0 : i32
    %dma_wait3A_971 = tpu.memref_slice %arg2[%dma_wait3A_968, %dma_wait3A_969, %dma_wait3A_970] : memref<128x200x4096xf32, #tpu.memory_space<any>> -> memref<1x200x4096xf32, #tpu.memory_space<any>>
    %dma_wait3A_972 = tpu.memref_squeeze %dma_wait3A_971 : memref<1x200x4096xf32, #tpu.memory_space<any>> -> memref<200x4096xf32, #tpu.memory_space<any>>
    tpu.wait_dma2 semaphore(%arg5 : memref<!tpu.dma_semaphore, #tpu.memory_space<semaphore_mem>>) src(%arg0 : memref<200x4096xf32, #tpu.memory_space<vmem>>) dst(%dma_wait3A_972 : memref<200x4096xf32, #tpu.memory_space<any>>)
    %dma_wait3A_973 = arith.constant 75 : i32
    %dma_wait3A_974 = arith.constant 0 : i32
    %dma_wait3A_975 = arith.constant 0 : i32
    %dma_wait3A_976 = tpu.memref_slice %arg2[%dma_wait3A_973, %dma_wait3A_974, %dma_wait3A_975] : memref<128x200x4096xf32, #tpu.memory_space<any>> -> memref<1x200x4096xf32, #tpu.memory_space<any>>
    %dma_wait3A_977 = tpu.memref_squeeze %dma_wait3A_976 : memref<1x200x4096xf32, #tpu.memory_space<any>> -> memref<200x4096xf32, #tpu.memory_space<any>>
    tpu.wait_dma2 semaphore(%arg6 : memref<!tpu.dma_semaphore, #tpu.memory_space<semaphore_mem>>) src(%arg0 : memref<200x4096xf32, #tpu.memory_space<vmem>>) dst(%dma_wait3A_977 : memref<200x4096xf32, #tpu.memory_space<any>>)
    %dma_wait3A_978 = arith.constant 76 : i32
    %dma_wait3A_979 = arith.constant 0 : i32
    %dma_wait3A_980 = arith.constant 0 : i32
    %dma_wait3A_981 = tpu.memref_slice %arg2[%dma_wait3A_978, %dma_wait3A_979, %dma_wait3A_980] : memref<128x200x4096xf32, #tpu.memory_space<any>> -> memref<1x200x4096xf32, #tpu.memory_space<any>>
    %dma_wait3A_982 = tpu.memref_squeeze %dma_wait3A_981 : memref<1x200x4096xf32, #tpu.memory_space<any>> -> memref<200x4096xf32, #tpu.memory_space<any>>
    tpu.wait_dma2 semaphore(%arg7 : memref<!tpu.dma_semaphore, #tpu.memory_space<semaphore_mem>>) src(%arg0 : memref<200x4096xf32, #tpu.memory_space<vmem>>) dst(%dma_wait3A_982 : memref<200x4096xf32, #tpu.memory_space<any>>)
    %dma_wait3A_983 = arith.constant 77 : i32
    %dma_wait3A_984 = arith.constant 0 : i32
    %dma_wait3A_985 = arith.constant 0 : i32
    %dma_wait3A_986 = tpu.memref_slice %arg2[%dma_wait3A_983, %dma_wait3A_984, %dma_wait3A_985] : memref<128x200x4096xf32, #tpu.memory_space<any>> -> memref<1x200x4096xf32, #tpu.memory_space<any>>
    %dma_wait3A_987 = tpu.memref_squeeze %dma_wait3A_986 : memref<1x200x4096xf32, #tpu.memory_space<any>> -> memref<200x4096xf32, #tpu.memory_space<any>>
    tpu.wait_dma2 semaphore(%arg8 : memref<!tpu.dma_semaphore, #tpu.memory_space<semaphore_mem>>) src(%arg0 : memref<200x4096xf32, #tpu.memory_space<vmem>>) dst(%dma_wait3A_987 : memref<200x4096xf32, #tpu.memory_space<any>>)
    %dma_wait3A_988 = arith.constant 78 : i32
    %dma_wait3A_989 = arith.constant 0 : i32
    %dma_wait3A_990 = arith.constant 0 : i32
    %dma_wait3A_991 = tpu.memref_slice %arg2[%dma_wait3A_988, %dma_wait3A_989, %dma_wait3A_990] : memref<128x200x4096xf32, #tpu.memory_space<any>> -> memref<1x200x4096xf32, #tpu.memory_space<any>>
    %dma_wait3A_992 = tpu.memref_squeeze %dma_wait3A_991 : memref<1x200x4096xf32, #tpu.memory_space<any>> -> memref<200x4096xf32, #tpu.memory_space<any>>
    tpu.wait_dma2 semaphore(%arg9 : memref<!tpu.dma_semaphore, #tpu.memory_space<semaphore_mem>>) src(%arg0 : memref<200x4096xf32, #tpu.memory_space<vmem>>) dst(%dma_wait3A_992 : memref<200x4096xf32, #tpu.memory_space<any>>)
    %dma_wait3A_993 = arith.constant 79 : i32
    %dma_wait3A_994 = arith.constant 0 : i32
    %dma_wait3A_995 = arith.constant 0 : i32
    %dma_wait3A_996 = tpu.memref_slice %arg2[%dma_wait3A_993, %dma_wait3A_994, %dma_wait3A_995] : memref<128x200x4096xf32, #tpu.memory_space<any>> -> memref<1x200x4096xf32, #tpu.memory_space<any>>
    %dma_wait3A_997 = tpu.memref_squeeze %dma_wait3A_996 : memref<1x200x4096xf32, #tpu.memory_space<any>> -> memref<200x4096xf32, #tpu.memory_space<any>>
    tpu.wait_dma2 semaphore(%arg10 : memref<!tpu.dma_semaphore, #tpu.memory_space<semaphore_mem>>) src(%arg0 : memref<200x4096xf32, #tpu.memory_space<vmem>>) dst(%dma_wait3A_997 : memref<200x4096xf32, #tpu.memory_space<any>>)
    %dma_wait3A_998 = arith.constant 80 : i32
    %dma_wait3A_999 = arith.constant 0 : i32
    %dma_wait3A_1000 = arith.constant 0 : i32
    %dma_wait3A_1001 = tpu.memref_slice %arg2[%dma_wait3A_998, %dma_wait3A_999, %dma_wait3A_1000] : memref<128x200x4096xf32, #tpu.memory_space<any>> -> memref<1x200x4096xf32, #tpu.memory_space<any>>
    %dma_wait3A_1002 = tpu.memref_squeeze %dma_wait3A_1001 : memref<1x200x4096xf32, #tpu.memory_space<any>> -> memref<200x4096xf32, #tpu.memory_space<any>>
    tpu.wait_dma2 semaphore(%arg3 : memref<!tpu.dma_semaphore, #tpu.memory_space<semaphore_mem>>) src(%arg0 : memref<200x4096xf32, #tpu.memory_space<vmem>>) dst(%dma_wait3A_1002 : memref<200x4096xf32, #tpu.memory_space<any>>)
    %dma_wait3A_1003 = arith.constant 81 : i32
    %dma_wait3A_1004 = arith.constant 0 : i32
    %dma_wait3A_1005 = arith.constant 0 : i32
    %dma_wait3A_1006 = tpu.memref_slice %arg2[%dma_wait3A_1003, %dma_wait3A_1004, %dma_wait3A_1005] : memref<128x200x4096xf32, #tpu.memory_space<any>> -> memref<1x200x4096xf32, #tpu.memory_space<any>>
    %dma_wait3A_1007 = tpu.memref_squeeze %dma_wait3A_1006 : memref<1x200x4096xf32, #tpu.memory_space<any>> -> memref<200x4096xf32, #tpu.memory_space<any>>
    tpu.wait_dma2 semaphore(%arg4 : memref<!tpu.dma_semaphore, #tpu.memory_space<semaphore_mem>>) src(%arg0 : memref<200x4096xf32, #tpu.memory_space<vmem>>) dst(%dma_wait3A_1007 : memref<200x4096xf32, #tpu.memory_space<any>>)
    %dma_wait3A_1008 = arith.constant 82 : i32
    %dma_wait3A_1009 = arith.constant 0 : i32
    %dma_wait3A_1010 = arith.constant 0 : i32
    %dma_wait3A_1011 = tpu.memref_slice %arg2[%dma_wait3A_1008, %dma_wait3A_1009, %dma_wait3A_1010] : memref<128x200x4096xf32, #tpu.memory_space<any>> -> memref<1x200x4096xf32, #tpu.memory_space<any>>
    %dma_wait3A_1012 = tpu.memref_squeeze %dma_wait3A_1011 : memref<1x200x4096xf32, #tpu.memory_space<any>> -> memref<200x4096xf32, #tpu.memory_space<any>>
    tpu.wait_dma2 semaphore(%arg5 : memref<!tpu.dma_semaphore, #tpu.memory_space<semaphore_mem>>) src(%arg0 : memref<200x4096xf32, #tpu.memory_space<vmem>>) dst(%dma_wait3A_1012 : memref<200x4096xf32, #tpu.memory_space<any>>)
    %dma_wait3A_1013 = arith.constant 83 : i32
    %dma_wait3A_1014 = arith.constant 0 : i32
    %dma_wait3A_1015 = arith.constant 0 : i32
    %dma_wait3A_1016 = tpu.memref_slice %arg2[%dma_wait3A_1013, %dma_wait3A_1014, %dma_wait3A_1015] : memref<128x200x4096xf32, #tpu.memory_space<any>> -> memref<1x200x4096xf32, #tpu.memory_space<any>>
    %dma_wait3A_1017 = tpu.memref_squeeze %dma_wait3A_1016 : memref<1x200x4096xf32, #tpu.memory_space<any>> -> memref<200x4096xf32, #tpu.memory_space<any>>
    tpu.wait_dma2 semaphore(%arg6 : memref<!tpu.dma_semaphore, #tpu.memory_space<semaphore_mem>>) src(%arg0 : memref<200x4096xf32, #tpu.memory_space<vmem>>) dst(%dma_wait3A_1017 : memref<200x4096xf32, #tpu.memory_space<any>>)
    %dma_wait3A_1018 = arith.constant 84 : i32
    %dma_wait3A_1019 = arith.constant 0 : i32
    %dma_wait3A_1020 = arith.constant 0 : i32
    %dma_wait3A_1021 = tpu.memref_slice %arg2[%dma_wait3A_1018, %dma_wait3A_1019, %dma_wait3A_1020] : memref<128x200x4096xf32, #tpu.memory_space<any>> -> memref<1x200x4096xf32, #tpu.memory_space<any>>
    %dma_wait3A_1022 = tpu.memref_squeeze %dma_wait3A_1021 : memref<1x200x4096xf32, #tpu.memory_space<any>> -> memref<200x4096xf32, #tpu.memory_space<any>>
    tpu.wait_dma2 semaphore(%arg7 : memref<!tpu.dma_semaphore, #tpu.memory_space<semaphore_mem>>) src(%arg0 : memref<200x4096xf32, #tpu.memory_space<vmem>>) dst(%dma_wait3A_1022 : memref<200x4096xf32, #tpu.memory_space<any>>)
    %dma_wait3A_1023 = arith.constant 85 : i32
    %dma_wait3A_1024 = arith.constant 0 : i32
    %dma_wait3A_1025 = arith.constant 0 : i32
    %dma_wait3A_1026 = tpu.memref_slice %arg2[%dma_wait3A_1023, %dma_wait3A_1024, %dma_wait3A_1025] : memref<128x200x4096xf32, #tpu.memory_space<any>> -> memref<1x200x4096xf32, #tpu.memory_space<any>>
    %dma_wait3A_1027 = tpu.memref_squeeze %dma_wait3A_1026 : memref<1x200x4096xf32, #tpu.memory_space<any>> -> memref<200x4096xf32, #tpu.memory_space<any>>
    tpu.wait_dma2 semaphore(%arg8 : memref<!tpu.dma_semaphore, #tpu.memory_space<semaphore_mem>>) src(%arg0 : memref<200x4096xf32, #tpu.memory_space<vmem>>) dst(%dma_wait3A_1027 : memref<200x4096xf32, #tpu.memory_space<any>>)
    %dma_wait3A_1028 = arith.constant 86 : i32
    %dma_wait3A_1029 = arith.constant 0 : i32
    %dma_wait3A_1030 = arith.constant 0 : i32
    %dma_wait3A_1031 = tpu.memref_slice %arg2[%dma_wait3A_1028, %dma_wait3A_1029, %dma_wait3A_1030] : memref<128x200x4096xf32, #tpu.memory_space<any>> -> memref<1x200x4096xf32, #tpu.memory_space<any>>
    %dma_wait3A_1032 = tpu.memref_squeeze %dma_wait3A_1031 : memref<1x200x4096xf32, #tpu.memory_space<any>> -> memref<200x4096xf32, #tpu.memory_space<any>>
    tpu.wait_dma2 semaphore(%arg9 : memref<!tpu.dma_semaphore, #tpu.memory_space<semaphore_mem>>) src(%arg0 : memref<200x4096xf32, #tpu.memory_space<vmem>>) dst(%dma_wait3A_1032 : memref<200x4096xf32, #tpu.memory_space<any>>)
    %dma_wait3A_1033 = arith.constant 87 : i32
    %dma_wait3A_1034 = arith.constant 0 : i32
    %dma_wait3A_1035 = arith.constant 0 : i32
    %dma_wait3A_1036 = tpu.memref_slice %arg2[%dma_wait3A_1033, %dma_wait3A_1034, %dma_wait3A_1035] : memref<128x200x4096xf32, #tpu.memory_space<any>> -> memref<1x200x4096xf32, #tpu.memory_space<any>>
    %dma_wait3A_1037 = tpu.memref_squeeze %dma_wait3A_1036 : memref<1x200x4096xf32, #tpu.memory_space<any>> -> memref<200x4096xf32, #tpu.memory_space<any>>
    tpu.wait_dma2 semaphore(%arg10 : memref<!tpu.dma_semaphore, #tpu.memory_space<semaphore_mem>>) src(%arg0 : memref<200x4096xf32, #tpu.memory_space<vmem>>) dst(%dma_wait3A_1037 : memref<200x4096xf32, #tpu.memory_space<any>>)
    %dma_wait3A_1038 = arith.constant 88 : i32
    %dma_wait3A_1039 = arith.constant 0 : i32
    %dma_wait3A_1040 = arith.constant 0 : i32
    %dma_wait3A_1041 = tpu.memref_slice %arg2[%dma_wait3A_1038, %dma_wait3A_1039, %dma_wait3A_1040] : memref<128x200x4096xf32, #tpu.memory_space<any>> -> memref<1x200x4096xf32, #tpu.memory_space<any>>
    %dma_wait3A_1042 = tpu.memref_squeeze %dma_wait3A_1041 : memref<1x200x4096xf32, #tpu.memory_space<any>> -> memref<200x4096xf32, #tpu.memory_space<any>>
    tpu.wait_dma2 semaphore(%arg3 : memref<!tpu.dma_semaphore, #tpu.memory_space<semaphore_mem>>) src(%arg0 : memref<200x4096xf32, #tpu.memory_space<vmem>>) dst(%dma_wait3A_1042 : memref<200x4096xf32, #tpu.memory_space<any>>)
    %dma_wait3A_1043 = arith.constant 89 : i32
    %dma_wait3A_1044 = arith.constant 0 : i32
    %dma_wait3A_1045 = arith.constant 0 : i32
    %dma_wait3A_1046 = tpu.memref_slice %arg2[%dma_wait3A_1043, %dma_wait3A_1044, %dma_wait3A_1045] : memref<128x200x4096xf32, #tpu.memory_space<any>> -> memref<1x200x4096xf32, #tpu.memory_space<any>>
    %dma_wait3A_1047 = tpu.memref_squeeze %dma_wait3A_1046 : memref<1x200x4096xf32, #tpu.memory_space<any>> -> memref<200x4096xf32, #tpu.memory_space<any>>
    tpu.wait_dma2 semaphore(%arg4 : memref<!tpu.dma_semaphore, #tpu.memory_space<semaphore_mem>>) src(%arg0 : memref<200x4096xf32, #tpu.memory_space<vmem>>) dst(%dma_wait3A_1047 : memref<200x4096xf32, #tpu.memory_space<any>>)
    %dma_wait3A_1048 = arith.constant 90 : i32
    %dma_wait3A_1049 = arith.constant 0 : i32
    %dma_wait3A_1050 = arith.constant 0 : i32
    %dma_wait3A_1051 = tpu.memref_slice %arg2[%dma_wait3A_1048, %dma_wait3A_1049, %dma_wait3A_1050] : memref<128x200x4096xf32, #tpu.memory_space<any>> -> memref<1x200x4096xf32, #tpu.memory_space<any>>
    %dma_wait3A_1052 = tpu.memref_squeeze %dma_wait3A_1051 : memref<1x200x4096xf32, #tpu.memory_space<any>> -> memref<200x4096xf32, #tpu.memory_space<any>>
    tpu.wait_dma2 semaphore(%arg5 : memref<!tpu.dma_semaphore, #tpu.memory_space<semaphore_mem>>) src(%arg0 : memref<200x4096xf32, #tpu.memory_space<vmem>>) dst(%dma_wait3A_1052 : memref<200x4096xf32, #tpu.memory_space<any>>)
    %dma_wait3A_1053 = arith.constant 91 : i32
    %dma_wait3A_1054 = arith.constant 0 : i32
    %dma_wait3A_1055 = arith.constant 0 : i32
    %dma_wait3A_1056 = tpu.memref_slice %arg2[%dma_wait3A_1053, %dma_wait3A_1054, %dma_wait3A_1055] : memref<128x200x4096xf32, #tpu.memory_space<any>> -> memref<1x200x4096xf32, #tpu.memory_space<any>>
    %dma_wait3A_1057 = tpu.memref_squeeze %dma_wait3A_1056 : memref<1x200x4096xf32, #tpu.memory_space<any>> -> memref<200x4096xf32, #tpu.memory_space<any>>
    tpu.wait_dma2 semaphore(%arg6 : memref<!tpu.dma_semaphore, #tpu.memory_space<semaphore_mem>>) src(%arg0 : memref<200x4096xf32, #tpu.memory_space<vmem>>) dst(%dma_wait3A_1057 : memref<200x4096xf32, #tpu.memory_space<any>>)
    %dma_wait3A_1058 = arith.constant 92 : i32
    %dma_wait3A_1059 = arith.constant 0 : i32
    %dma_wait3A_1060 = arith.constant 0 : i32
    %dma_wait3A_1061 = tpu.memref_slice %arg2[%dma_wait3A_1058, %dma_wait3A_1059, %dma_wait3A_1060] : memref<128x200x4096xf32, #tpu.memory_space<any>> -> memref<1x200x4096xf32, #tpu.memory_space<any>>
    %dma_wait3A_1062 = tpu.memref_squeeze %dma_wait3A_1061 : memref<1x200x4096xf32, #tpu.memory_space<any>> -> memref<200x4096xf32, #tpu.memory_space<any>>
    tpu.wait_dma2 semaphore(%arg7 : memref<!tpu.dma_semaphore, #tpu.memory_space<semaphore_mem>>) src(%arg0 : memref<200x4096xf32, #tpu.memory_space<vmem>>) dst(%dma_wait3A_1062 : memref<200x4096xf32, #tpu.memory_space<any>>)
    %dma_wait3A_1063 = arith.constant 93 : i32
    %dma_wait3A_1064 = arith.constant 0 : i32
    %dma_wait3A_1065 = arith.constant 0 : i32
    %dma_wait3A_1066 = tpu.memref_slice %arg2[%dma_wait3A_1063, %dma_wait3A_1064, %dma_wait3A_1065] : memref<128x200x4096xf32, #tpu.memory_space<any>> -> memref<1x200x4096xf32, #tpu.memory_space<any>>
    %dma_wait3A_1067 = tpu.memref_squeeze %dma_wait3A_1066 : memref<1x200x4096xf32, #tpu.memory_space<any>> -> memref<200x4096xf32, #tpu.memory_space<any>>
    tpu.wait_dma2 semaphore(%arg8 : memref<!tpu.dma_semaphore, #tpu.memory_space<semaphore_mem>>) src(%arg0 : memref<200x4096xf32, #tpu.memory_space<vmem>>) dst(%dma_wait3A_1067 : memref<200x4096xf32, #tpu.memory_space<any>>)
    %dma_wait3A_1068 = arith.constant 94 : i32
    %dma_wait3A_1069 = arith.constant 0 : i32
    %dma_wait3A_1070 = arith.constant 0 : i32
    %dma_wait3A_1071 = tpu.memref_slice %arg2[%dma_wait3A_1068, %dma_wait3A_1069, %dma_wait3A_1070] : memref<128x200x4096xf32, #tpu.memory_space<any>> -> memref<1x200x4096xf32, #tpu.memory_space<any>>
    %dma_wait3A_1072 = tpu.memref_squeeze %dma_wait3A_1071 : memref<1x200x4096xf32, #tpu.memory_space<any>> -> memref<200x4096xf32, #tpu.memory_space<any>>
    tpu.wait_dma2 semaphore(%arg9 : memref<!tpu.dma_semaphore, #tpu.memory_space<semaphore_mem>>) src(%arg0 : memref<200x4096xf32, #tpu.memory_space<vmem>>) dst(%dma_wait3A_1072 : memref<200x4096xf32, #tpu.memory_space<any>>)
    %dma_wait3A_1073 = arith.constant 95 : i32
    %dma_wait3A_1074 = arith.constant 0 : i32
    %dma_wait3A_1075 = arith.constant 0 : i32
    %dma_wait3A_1076 = tpu.memref_slice %arg2[%dma_wait3A_1073, %dma_wait3A_1074, %dma_wait3A_1075] : memref<128x200x4096xf32, #tpu.memory_space<any>> -> memref<1x200x4096xf32, #tpu.memory_space<any>>
    %dma_wait3A_1077 = tpu.memref_squeeze %dma_wait3A_1076 : memref<1x200x4096xf32, #tpu.memory_space<any>> -> memref<200x4096xf32, #tpu.memory_space<any>>
    tpu.wait_dma2 semaphore(%arg10 : memref<!tpu.dma_semaphore, #tpu.memory_space<semaphore_mem>>) src(%arg0 : memref<200x4096xf32, #tpu.memory_space<vmem>>) dst(%dma_wait3A_1077 : memref<200x4096xf32, #tpu.memory_space<any>>)
    %dma_wait3A_1078 = arith.constant 96 : i32
    %dma_wait3A_1079 = arith.constant 0 : i32
    %dma_wait3A_1080 = arith.constant 0 : i32
    %dma_wait3A_1081 = tpu.memref_slice %arg2[%dma_wait3A_1078, %dma_wait3A_1079, %dma_wait3A_1080] : memref<128x200x4096xf32, #tpu.memory_space<any>> -> memref<1x200x4096xf32, #tpu.memory_space<any>>
    %dma_wait3A_1082 = tpu.memref_squeeze %dma_wait3A_1081 : memref<1x200x4096xf32, #tpu.memory_space<any>> -> memref<200x4096xf32, #tpu.memory_space<any>>
    tpu.wait_dma2 semaphore(%arg3 : memref<!tpu.dma_semaphore, #tpu.memory_space<semaphore_mem>>) src(%arg0 : memref<200x4096xf32, #tpu.memory_space<vmem>>) dst(%dma_wait3A_1082 : memref<200x4096xf32, #tpu.memory_space<any>>)
    %dma_wait3A_1083 = arith.constant 97 : i32
    %dma_wait3A_1084 = arith.constant 0 : i32
    %dma_wait3A_1085 = arith.constant 0 : i32
    %dma_wait3A_1086 = tpu.memref_slice %arg2[%dma_wait3A_1083, %dma_wait3A_1084, %dma_wait3A_1085] : memref<128x200x4096xf32, #tpu.memory_space<any>> -> memref<1x200x4096xf32, #tpu.memory_space<any>>
    %dma_wait3A_1087 = tpu.memref_squeeze %dma_wait3A_1086 : memref<1x200x4096xf32, #tpu.memory_space<any>> -> memref<200x4096xf32, #tpu.memory_space<any>>
    tpu.wait_dma2 semaphore(%arg4 : memref<!tpu.dma_semaphore, #tpu.memory_space<semaphore_mem>>) src(%arg0 : memref<200x4096xf32, #tpu.memory_space<vmem>>) dst(%dma_wait3A_1087 : memref<200x4096xf32, #tpu.memory_space<any>>)
    %dma_wait3A_1088 = arith.constant 98 : i32
    %dma_wait3A_1089 = arith.constant 0 : i32
    %dma_wait3A_1090 = arith.constant 0 : i32
    %dma_wait3A_1091 = tpu.memref_slice %arg2[%dma_wait3A_1088, %dma_wait3A_1089, %dma_wait3A_1090] : memref<128x200x4096xf32, #tpu.memory_space<any>> -> memref<1x200x4096xf32, #tpu.memory_space<any>>
    %dma_wait3A_1092 = tpu.memref_squeeze %dma_wait3A_1091 : memref<1x200x4096xf32, #tpu.memory_space<any>> -> memref<200x4096xf32, #tpu.memory_space<any>>
    tpu.wait_dma2 semaphore(%arg5 : memref<!tpu.dma_semaphore, #tpu.memory_space<semaphore_mem>>) src(%arg0 : memref<200x4096xf32, #tpu.memory_space<vmem>>) dst(%dma_wait3A_1092 : memref<200x4096xf32, #tpu.memory_space<any>>)
    %dma_wait3A_1093 = arith.constant 99 : i32
    %dma_wait3A_1094 = arith.constant 0 : i32
    %dma_wait3A_1095 = arith.constant 0 : i32
    %dma_wait3A_1096 = tpu.memref_slice %arg2[%dma_wait3A_1093, %dma_wait3A_1094, %dma_wait3A_1095] : memref<128x200x4096xf32, #tpu.memory_space<any>> -> memref<1x200x4096xf32, #tpu.memory_space<any>>
    %dma_wait3A_1097 = tpu.memref_squeeze %dma_wait3A_1096 : memref<1x200x4096xf32, #tpu.memory_space<any>> -> memref<200x4096xf32, #tpu.memory_space<any>>
    tpu.wait_dma2 semaphore(%arg6 : memref<!tpu.dma_semaphore, #tpu.memory_space<semaphore_mem>>) src(%arg0 : memref<200x4096xf32, #tpu.memory_space<vmem>>) dst(%dma_wait3A_1097 : memref<200x4096xf32, #tpu.memory_space<any>>)
    %dma_wait3A_1098 = arith.constant 100 : i32
    %dma_wait3A_1099 = arith.constant 0 : i32
    %dma_wait3A_1100 = arith.constant 0 : i32
    %dma_wait3A_1101 = tpu.memref_slice %arg2[%dma_wait3A_1098, %dma_wait3A_1099, %dma_wait3A_1100] : memref<128x200x4096xf32, #tpu.memory_space<any>> -> memref<1x200x4096xf32, #tpu.memory_space<any>>
    %dma_wait3A_1102 = tpu.memref_squeeze %dma_wait3A_1101 : memref<1x200x4096xf32, #tpu.memory_space<any>> -> memref<200x4096xf32, #tpu.memory_space<any>>
    tpu.wait_dma2 semaphore(%arg7 : memref<!tpu.dma_semaphore, #tpu.memory_space<semaphore_mem>>) src(%arg0 : memref<200x4096xf32, #tpu.memory_space<vmem>>) dst(%dma_wait3A_1102 : memref<200x4096xf32, #tpu.memory_space<any>>)
    %dma_wait3A_1103 = arith.constant 101 : i32
    %dma_wait3A_1104 = arith.constant 0 : i32
    %dma_wait3A_1105 = arith.constant 0 : i32
    %dma_wait3A_1106 = tpu.memref_slice %arg2[%dma_wait3A_1103, %dma_wait3A_1104, %dma_wait3A_1105] : memref<128x200x4096xf32, #tpu.memory_space<any>> -> memref<1x200x4096xf32, #tpu.memory_space<any>>
    %dma_wait3A_1107 = tpu.memref_squeeze %dma_wait3A_1106 : memref<1x200x4096xf32, #tpu.memory_space<any>> -> memref<200x4096xf32, #tpu.memory_space<any>>
    tpu.wait_dma2 semaphore(%arg8 : memref<!tpu.dma_semaphore, #tpu.memory_space<semaphore_mem>>) src(%arg0 : memref<200x4096xf32, #tpu.memory_space<vmem>>) dst(%dma_wait3A_1107 : memref<200x4096xf32, #tpu.memory_space<any>>)
    %dma_wait3A_1108 = arith.constant 102 : i32
    %dma_wait3A_1109 = arith.constant 0 : i32
    %dma_wait3A_1110 = arith.constant 0 : i32
    %dma_wait3A_1111 = tpu.memref_slice %arg2[%dma_wait3A_1108, %dma_wait3A_1109, %dma_wait3A_1110] : memref<128x200x4096xf32, #tpu.memory_space<any>> -> memref<1x200x4096xf32, #tpu.memory_space<any>>
    %dma_wait3A_1112 = tpu.memref_squeeze %dma_wait3A_1111 : memref<1x200x4096xf32, #tpu.memory_space<any>> -> memref<200x4096xf32, #tpu.memory_space<any>>
    tpu.wait_dma2 semaphore(%arg9 : memref<!tpu.dma_semaphore, #tpu.memory_space<semaphore_mem>>) src(%arg0 : memref<200x4096xf32, #tpu.memory_space<vmem>>) dst(%dma_wait3A_1112 : memref<200x4096xf32, #tpu.memory_space<any>>)
    %dma_wait3A_1113 = arith.constant 103 : i32
    %dma_wait3A_1114 = arith.constant 0 : i32
    %dma_wait3A_1115 = arith.constant 0 : i32
    %dma_wait3A_1116 = tpu.memref_slice %arg2[%dma_wait3A_1113, %dma_wait3A_1114, %dma_wait3A_1115] : memref<128x200x4096xf32, #tpu.memory_space<any>> -> memref<1x200x4096xf32, #tpu.memory_space<any>>
    %dma_wait3A_1117 = tpu.memref_squeeze %dma_wait3A_1116 : memref<1x200x4096xf32, #tpu.memory_space<any>> -> memref<200x4096xf32, #tpu.memory_space<any>>
    tpu.wait_dma2 semaphore(%arg10 : memref<!tpu.dma_semaphore, #tpu.memory_space<semaphore_mem>>) src(%arg0 : memref<200x4096xf32, #tpu.memory_space<vmem>>) dst(%dma_wait3A_1117 : memref<200x4096xf32, #tpu.memory_space<any>>)
    %dma_wait3A_1118 = arith.constant 104 : i32
    %dma_wait3A_1119 = arith.constant 0 : i32
    %dma_wait3A_1120 = arith.constant 0 : i32
    %dma_wait3A_1121 = tpu.memref_slice %arg2[%dma_wait3A_1118, %dma_wait3A_1119, %dma_wait3A_1120] : memref<128x200x4096xf32, #tpu.memory_space<any>> -> memref<1x200x4096xf32, #tpu.memory_space<any>>
    %dma_wait3A_1122 = tpu.memref_squeeze %dma_wait3A_1121 : memref<1x200x4096xf32, #tpu.memory_space<any>> -> memref<200x4096xf32, #tpu.memory_space<any>>
    tpu.wait_dma2 semaphore(%arg3 : memref<!tpu.dma_semaphore, #tpu.memory_space<semaphore_mem>>) src(%arg0 : memref<200x4096xf32, #tpu.memory_space<vmem>>) dst(%dma_wait3A_1122 : memref<200x4096xf32, #tpu.memory_space<any>>)
    %dma_wait3A_1123 = arith.constant 105 : i32
    %dma_wait3A_1124 = arith.constant 0 : i32
    %dma_wait3A_1125 = arith.constant 0 : i32
    %dma_wait3A_1126 = tpu.memref_slice %arg2[%dma_wait3A_1123, %dma_wait3A_1124, %dma_wait3A_1125] : memref<128x200x4096xf32, #tpu.memory_space<any>> -> memref<1x200x4096xf32, #tpu.memory_space<any>>
    %dma_wait3A_1127 = tpu.memref_squeeze %dma_wait3A_1126 : memref<1x200x4096xf32, #tpu.memory_space<any>> -> memref<200x4096xf32, #tpu.memory_space<any>>
    tpu.wait_dma2 semaphore(%arg4 : memref<!tpu.dma_semaphore, #tpu.memory_space<semaphore_mem>>) src(%arg0 : memref<200x4096xf32, #tpu.memory_space<vmem>>) dst(%dma_wait3A_1127 : memref<200x4096xf32, #tpu.memory_space<any>>)
    %dma_wait3A_1128 = arith.constant 106 : i32
    %dma_wait3A_1129 = arith.constant 0 : i32
    %dma_wait3A_1130 = arith.constant 0 : i32
    %dma_wait3A_1131 = tpu.memref_slice %arg2[%dma_wait3A_1128, %dma_wait3A_1129, %dma_wait3A_1130] : memref<128x200x4096xf32, #tpu.memory_space<any>> -> memref<1x200x4096xf32, #tpu.memory_space<any>>
    %dma_wait3A_1132 = tpu.memref_squeeze %dma_wait3A_1131 : memref<1x200x4096xf32, #tpu.memory_space<any>> -> memref<200x4096xf32, #tpu.memory_space<any>>
    tpu.wait_dma2 semaphore(%arg5 : memref<!tpu.dma_semaphore, #tpu.memory_space<semaphore_mem>>) src(%arg0 : memref<200x4096xf32, #tpu.memory_space<vmem>>) dst(%dma_wait3A_1132 : memref<200x4096xf32, #tpu.memory_space<any>>)
    %dma_wait3A_1133 = arith.constant 107 : i32
    %dma_wait3A_1134 = arith.constant 0 : i32
    %dma_wait3A_1135 = arith.constant 0 : i32
    %dma_wait3A_1136 = tpu.memref_slice %arg2[%dma_wait3A_1133, %dma_wait3A_1134, %dma_wait3A_1135] : memref<128x200x4096xf32, #tpu.memory_space<any>> -> memref<1x200x4096xf32, #tpu.memory_space<any>>
    %dma_wait3A_1137 = tpu.memref_squeeze %dma_wait3A_1136 : memref<1x200x4096xf32, #tpu.memory_space<any>> -> memref<200x4096xf32, #tpu.memory_space<any>>
    tpu.wait_dma2 semaphore(%arg6 : memref<!tpu.dma_semaphore, #tpu.memory_space<semaphore_mem>>) src(%arg0 : memref<200x4096xf32, #tpu.memory_space<vmem>>) dst(%dma_wait3A_1137 : memref<200x4096xf32, #tpu.memory_space<any>>)
    %dma_wait3A_1138 = arith.constant 108 : i32
    %dma_wait3A_1139 = arith.constant 0 : i32
    %dma_wait3A_1140 = arith.constant 0 : i32
    %dma_wait3A_1141 = tpu.memref_slice %arg2[%dma_wait3A_1138, %dma_wait3A_1139, %dma_wait3A_1140] : memref<128x200x4096xf32, #tpu.memory_space<any>> -> memref<1x200x4096xf32, #tpu.memory_space<any>>
    %dma_wait3A_1142 = tpu.memref_squeeze %dma_wait3A_1141 : memref<1x200x4096xf32, #tpu.memory_space<any>> -> memref<200x4096xf32, #tpu.memory_space<any>>
    tpu.wait_dma2 semaphore(%arg7 : memref<!tpu.dma_semaphore, #tpu.memory_space<semaphore_mem>>) src(%arg0 : memref<200x4096xf32, #tpu.memory_space<vmem>>) dst(%dma_wait3A_1142 : memref<200x4096xf32, #tpu.memory_space<any>>)
    %dma_wait3A_1143 = arith.constant 109 : i32
    %dma_wait3A_1144 = arith.constant 0 : i32
    %dma_wait3A_1145 = arith.constant 0 : i32
    %dma_wait3A_1146 = tpu.memref_slice %arg2[%dma_wait3A_1143, %dma_wait3A_1144, %dma_wait3A_1145] : memref<128x200x4096xf32, #tpu.memory_space<any>> -> memref<1x200x4096xf32, #tpu.memory_space<any>>
    %dma_wait3A_1147 = tpu.memref_squeeze %dma_wait3A_1146 : memref<1x200x4096xf32, #tpu.memory_space<any>> -> memref<200x4096xf32, #tpu.memory_space<any>>
    tpu.wait_dma2 semaphore(%arg8 : memref<!tpu.dma_semaphore, #tpu.memory_space<semaphore_mem>>) src(%arg0 : memref<200x4096xf32, #tpu.memory_space<vmem>>) dst(%dma_wait3A_1147 : memref<200x4096xf32, #tpu.memory_space<any>>)
    %dma_wait3A_1148 = arith.constant 110 : i32
    %dma_wait3A_1149 = arith.constant 0 : i32
    %dma_wait3A_1150 = arith.constant 0 : i32
    %dma_wait3A_1151 = tpu.memref_slice %arg2[%dma_wait3A_1148, %dma_wait3A_1149, %dma_wait3A_1150] : memref<128x200x4096xf32, #tpu.memory_space<any>> -> memref<1x200x4096xf32, #tpu.memory_space<any>>
    %dma_wait3A_1152 = tpu.memref_squeeze %dma_wait3A_1151 : memref<1x200x4096xf32, #tpu.memory_space<any>> -> memref<200x4096xf32, #tpu.memory_space<any>>
    tpu.wait_dma2 semaphore(%arg9 : memref<!tpu.dma_semaphore, #tpu.memory_space<semaphore_mem>>) src(%arg0 : memref<200x4096xf32, #tpu.memory_space<vmem>>) dst(%dma_wait3A_1152 : memref<200x4096xf32, #tpu.memory_space<any>>)
    %dma_wait3A_1153 = arith.constant 111 : i32
    %dma_wait3A_1154 = arith.constant 0 : i32
    %dma_wait3A_1155 = arith.constant 0 : i32
    %dma_wait3A_1156 = tpu.memref_slice %arg2[%dma_wait3A_1153, %dma_wait3A_1154, %dma_wait3A_1155] : memref<128x200x4096xf32, #tpu.memory_space<any>> -> memref<1x200x4096xf32, #tpu.memory_space<any>>
    %dma_wait3A_1157 = tpu.memref_squeeze %dma_wait3A_1156 : memref<1x200x4096xf32, #tpu.memory_space<any>> -> memref<200x4096xf32, #tpu.memory_space<any>>
    tpu.wait_dma2 semaphore(%arg10 : memref<!tpu.dma_semaphore, #tpu.memory_space<semaphore_mem>>) src(%arg0 : memref<200x4096xf32, #tpu.memory_space<vmem>>) dst(%dma_wait3A_1157 : memref<200x4096xf32, #tpu.memory_space<any>>)
    %dma_wait3A_1158 = arith.constant 112 : i32
    %dma_wait3A_1159 = arith.constant 0 : i32
    %dma_wait3A_1160 = arith.constant 0 : i32
    %dma_wait3A_1161 = tpu.memref_slice %arg2[%dma_wait3A_1158, %dma_wait3A_1159, %dma_wait3A_1160] : memref<128x200x4096xf32, #tpu.memory_space<any>> -> memref<1x200x4096xf32, #tpu.memory_space<any>>
    %dma_wait3A_1162 = tpu.memref_squeeze %dma_wait3A_1161 : memref<1x200x4096xf32, #tpu.memory_space<any>> -> memref<200x4096xf32, #tpu.memory_space<any>>
    tpu.wait_dma2 semaphore(%arg3 : memref<!tpu.dma_semaphore, #tpu.memory_space<semaphore_mem>>) src(%arg0 : memref<200x4096xf32, #tpu.memory_space<vmem>>) dst(%dma_wait3A_1162 : memref<200x4096xf32, #tpu.memory_space<any>>)
    %dma_wait3A_1163 = arith.constant 113 : i32
    %dma_wait3A_1164 = arith.constant 0 : i32
    %dma_wait3A_1165 = arith.constant 0 : i32
    %dma_wait3A_1166 = tpu.memref_slice %arg2[%dma_wait3A_1163, %dma_wait3A_1164, %dma_wait3A_1165] : memref<128x200x4096xf32, #tpu.memory_space<any>> -> memref<1x200x4096xf32, #tpu.memory_space<any>>
    %dma_wait3A_1167 = tpu.memref_squeeze %dma_wait3A_1166 : memref<1x200x4096xf32, #tpu.memory_space<any>> -> memref<200x4096xf32, #tpu.memory_space<any>>
    tpu.wait_dma2 semaphore(%arg4 : memref<!tpu.dma_semaphore, #tpu.memory_space<semaphore_mem>>) src(%arg0 : memref<200x4096xf32, #tpu.memory_space<vmem>>) dst(%dma_wait3A_1167 : memref<200x4096xf32, #tpu.memory_space<any>>)
    %dma_wait3A_1168 = arith.constant 114 : i32
    %dma_wait3A_1169 = arith.constant 0 : i32
    %dma_wait3A_1170 = arith.constant 0 : i32
    %dma_wait3A_1171 = tpu.memref_slice %arg2[%dma_wait3A_1168, %dma_wait3A_1169, %dma_wait3A_1170] : memref<128x200x4096xf32, #tpu.memory_space<any>> -> memref<1x200x4096xf32, #tpu.memory_space<any>>
    %dma_wait3A_1172 = tpu.memref_squeeze %dma_wait3A_1171 : memref<1x200x4096xf32, #tpu.memory_space<any>> -> memref<200x4096xf32, #tpu.memory_space<any>>
    tpu.wait_dma2 semaphore(%arg5 : memref<!tpu.dma_semaphore, #tpu.memory_space<semaphore_mem>>) src(%arg0 : memref<200x4096xf32, #tpu.memory_space<vmem>>) dst(%dma_wait3A_1172 : memref<200x4096xf32, #tpu.memory_space<any>>)
    %dma_wait3A_1173 = arith.constant 115 : i32
    %dma_wait3A_1174 = arith.constant 0 : i32
    %dma_wait3A_1175 = arith.constant 0 : i32
    %dma_wait3A_1176 = tpu.memref_slice %arg2[%dma_wait3A_1173, %dma_wait3A_1174, %dma_wait3A_1175] : memref<128x200x4096xf32, #tpu.memory_space<any>> -> memref<1x200x4096xf32, #tpu.memory_space<any>>
    %dma_wait3A_1177 = tpu.memref_squeeze %dma_wait3A_1176 : memref<1x200x4096xf32, #tpu.memory_space<any>> -> memref<200x4096xf32, #tpu.memory_space<any>>
    tpu.wait_dma2 semaphore(%arg6 : memref<!tpu.dma_semaphore, #tpu.memory_space<semaphore_mem>>) src(%arg0 : memref<200x4096xf32, #tpu.memory_space<vmem>>) dst(%dma_wait3A_1177 : memref<200x4096xf32, #tpu.memory_space<any>>)
    %dma_wait3A_1178 = arith.constant 116 : i32
    %dma_wait3A_1179 = arith.constant 0 : i32
    %dma_wait3A_1180 = arith.constant 0 : i32
    %dma_wait3A_1181 = tpu.memref_slice %arg2[%dma_wait3A_1178, %dma_wait3A_1179, %dma_wait3A_1180] : memref<128x200x4096xf32, #tpu.memory_space<any>> -> memref<1x200x4096xf32, #tpu.memory_space<any>>
    %dma_wait3A_1182 = tpu.memref_squeeze %dma_wait3A_1181 : memref<1x200x4096xf32, #tpu.memory_space<any>> -> memref<200x4096xf32, #tpu.memory_space<any>>
    tpu.wait_dma2 semaphore(%arg7 : memref<!tpu.dma_semaphore, #tpu.memory_space<semaphore_mem>>) src(%arg0 : memref<200x4096xf32, #tpu.memory_space<vmem>>) dst(%dma_wait3A_1182 : memref<200x4096xf32, #tpu.memory_space<any>>)
    %dma_wait3A_1183 = arith.constant 117 : i32
    %dma_wait3A_1184 = arith.constant 0 : i32
    %dma_wait3A_1185 = arith.constant 0 : i32
    %dma_wait3A_1186 = tpu.memref_slice %arg2[%dma_wait3A_1183, %dma_wait3A_1184, %dma_wait3A_1185] : memref<128x200x4096xf32, #tpu.memory_space<any>> -> memref<1x200x4096xf32, #tpu.memory_space<any>>
    %dma_wait3A_1187 = tpu.memref_squeeze %dma_wait3A_1186 : memref<1x200x4096xf32, #tpu.memory_space<any>> -> memref<200x4096xf32, #tpu.memory_space<any>>
    tpu.wait_dma2 semaphore(%arg8 : memref<!tpu.dma_semaphore, #tpu.memory_space<semaphore_mem>>) src(%arg0 : memref<200x4096xf32, #tpu.memory_space<vmem>>) dst(%dma_wait3A_1187 : memref<200x4096xf32, #tpu.memory_space<any>>)
    %dma_wait3A_1188 = arith.constant 118 : i32
    %dma_wait3A_1189 = arith.constant 0 : i32
    %dma_wait3A_1190 = arith.constant 0 : i32
    %dma_wait3A_1191 = tpu.memref_slice %arg2[%dma_wait3A_1188, %dma_wait3A_1189, %dma_wait3A_1190] : memref<128x200x4096xf32, #tpu.memory_space<any>> -> memref<1x200x4096xf32, #tpu.memory_space<any>>
    %dma_wait3A_1192 = tpu.memref_squeeze %dma_wait3A_1191 : memref<1x200x4096xf32, #tpu.memory_space<any>> -> memref<200x4096xf32, #tpu.memory_space<any>>
    tpu.wait_dma2 semaphore(%arg9 : memref<!tpu.dma_semaphore, #tpu.memory_space<semaphore_mem>>) src(%arg0 : memref<200x4096xf32, #tpu.memory_space<vmem>>) dst(%dma_wait3A_1192 : memref<200x4096xf32, #tpu.memory_space<any>>)
    %dma_wait3A_1193 = arith.constant 119 : i32
    %dma_wait3A_1194 = arith.constant 0 : i32
    %dma_wait3A_1195 = arith.constant 0 : i32
    %dma_wait3A_1196 = tpu.memref_slice %arg2[%dma_wait3A_1193, %dma_wait3A_1194, %dma_wait3A_1195] : memref<128x200x4096xf32, #tpu.memory_space<any>> -> memref<1x200x4096xf32, #tpu.memory_space<any>>
    %dma_wait3A_1197 = tpu.memref_squeeze %dma_wait3A_1196 : memref<1x200x4096xf32, #tpu.memory_space<any>> -> memref<200x4096xf32, #tpu.memory_space<any>>
    tpu.wait_dma2 semaphore(%arg10 : memref<!tpu.dma_semaphore, #tpu.memory_space<semaphore_mem>>) src(%arg0 : memref<200x4096xf32, #tpu.memory_space<vmem>>) dst(%dma_wait3A_1197 : memref<200x4096xf32, #tpu.memory_space<any>>)
    return
  }
}

</mosaic_0001>

<sc_bundles>
// kernel: kernel.4.cloned.1.call-start
scs
__scs_entry_jumppad:
0x0: {  	(pc) =	sbr.rel $0x88, $3  }
0x1: {  	(tag) =	ssettag $0x0;
	lr =	simm.s32 $0x1  }
0x2: {  	[smem:$0x3F9F] =	sst lr;
	_ =	strace $0xD0000000  }
0x3: {  	_ = 	snop  }
0x4: {  	_ = 	snop  }
0x5: {  	_ = 	snop  }
0x6: {  	_ = 	snop  }
0x7: {  	_ = 	snop  }
__scs_overlays_trampoline_lowered:
0x8: {  	[smem:$0x3FAE] =	sst s0  }
0x9: {  	[smem:$0x3FAF] =	sst s1  }
0xa: {  	[smem:$0x3FB0] =	sst s2  }
0xb: {  	[smem:$0x3FB1] =	sst s3  }
0xc: {  	[smem:$0x3FB2] =	sst s4  }
0xd: {  	[smem:$0x3FB3] =	sst s5  }
0xe: {  	[smem:$0x3FB4] =	sst s6  }
0xf: {  	[smem:$0x3FB5] =	sst s7  }
0x10: {  	[smem:$0x3FB6] =	sst s8  }
0x11: {  	[smem:$0x3FB7] =	sst s9;
	s0 =	simm.s32 @!p0 $0x0  }
0x12: {  	s1 =	sld [smem:$0x3F9D];
	s0 =	simm.s32 @p0 $0x1  }
0x13: {  	[smem:$0x3FB8] =	sst s0;
	s0 =	simm.s32 @!p1 $0x0  }
0x14: {  	s2 =	sld [smem:$0x3F9C];
	s0 =	simm.s32 @p1 $0x1  }
0x15: {  	[smem:$0x3FB9] =	sst s0;
	s0 =	simm.s32 @!p2 $0x0  }
0x16: {  	s3 =	sld [smem:$0x3FDB];
	s0 =	simm.s32 @p2 $0x1  }
0x17: {  	s4 =	simm.s32 $0x1BF5;
	[smem:$0x3FBB] =	sst s0  }
0x18: {  	s0 =	sld [smem:$0x3F9E];
	_ =	swait.ge [sflag:s4], $0x0  }
0x19: {  	s7 =	sld [smem:$0x3F9F]  }
0x1a: {  	s8 =	sadd.s32 $0xFFFFE003, lr  }
0x1b: {  	s9 =	sadd.s32 $0xFFFFFEF7, lr;
	s5 =	simm.s32 $0xFFFFFFFF;
	p2 =	slt.u32 s8, $0xFFFFF086  }
0x1c: {  	p1 =	slt.u32 s9, $0xF7A;
	s5 =	simm.s32 @!p2 $0x0  }
0x1d: {  	s5 =	simm.s32 @p1 $0x1;
	p0 =	seq.s32 s7, s2  }
0x1e: {  	s7 =	smul.u32 @!p0 $0xF7A, s2;
	p2 =	seq.s32 @!p0 s5, $0x0  }
0x1f: {  	s9 =	smul.u32 $0xF7A, s1;
	s8 =	simm.s32 @!p0 $0x1BF5;
	p2 =	por !p2, p0  }
0x20: {  	[sflag:s8] =	ssyncset.s32 @!p0 $0xFFFFF086;
	s6 =	sadd.s32 @!p0 s3, s7;
	s7 =	simm.s32 @!p0 $0x108  }
0x21: {  	s3 =	sadd.s32 s3, s9;
	s6 =	sadd.s32 @!p0 $0x88, s6;
	s7 =	simm.s32 @p2 $0x1082  }
0x22: {  	[simem:s7], [sflag:s8] =	dma.local @!p0 [hbm:s6], $0xF7A  }
0x23: {  	s9 =	sor.u32 $0xD0000000, s2;
	s6 =	simm.s32 $0x108;
	_ =	swait.ge @!p0 [sflag:s8], $0x0  }
0x24: {  	s3 =	sadd.s32 $0x88, s3;
	s6 =	simm.s32 @!p1 $0x1082;
	[sflag:s4] =	ssyncset.s32 $0xFFFFF086  }
0x25: {  	[simem:s6], [sflag:s4] =	dma.local [hbm:s3], $0xF7A  }
0x26: {  	[smem:$0x3F9F] =	sst s1;
	(tag) =	ssettag s2;
	_ =	strace s9  }
0x27: {  	s1 =	sld [smem:$0x3FAF]  }
0x28: {  	s2 =	sld [smem:$0x3FB0]  }
0x29: {  	s4 =	sld [smem:$0x3FB2]  }
0x2a: {  	p0 =	seq.s32 s5, $0x0;
	s5 =	sld [smem:$0x3FB3]  }
0x2b: {  	s6 =	sld [smem:$0x3FB4]  }
0x2c: {  	s7 =	sld [smem:$0x3FB5]  }
0x2d: {  	s3 =	simm.s32 $0x108;
	s8 =	sld [smem:$0x3FB6]  }
0x2e: {  	s3 =	simm.s32 @!p0 $0x1082;
	s9 =	sld [smem:$0x3FB7]  }
0x2f: {  	lr =	sadd.s32 s0, s3;
	s0 =	sld [smem:$0x3FAE]  }
0x30: {  	s3 =	sld [smem:$0x3FB1]  }
0x31: {  	[smem:$0x3FBA] =	sst s10  }
0x32: {  	s10 =	sld [smem:$0x3FB8];
	_ =	sdelay $0x3  }
0x33: {  	p0 =	seq.s32 s10, $0x1;
	s10 =	sld [smem:$0x3FBA];
	_ =	sdelay $0x3  }
0x34: {  	[smem:$0x3FBA] =	sst s10  }
0x35: {  	s10 =	sld [smem:$0x3FB9];
	_ =	sdelay $0x3  }
0x36: {  	p1 =	seq.s32 s10, $0x1;
	s10 =	sld [smem:$0x3FBA];
	_ =	sdelay $0x3  }
0x37: {  	[smem:$0x3FBA] =	sst s10  }
0x38: {  	s10 =	sld [smem:$0x3FBB]  }
0x39: {  	_ = 	snop;
	(pc) =	sbr.ind lr, $3  }
0x3a: {  	_ = 	snop  }
0x3b: {  	_ = 	snop  }
0x3c: {  	p2 =	seq.s32 s10, $0x1;
	s10 =	sld [smem:$0x3FBA]  }
0x3d: {  	_ =	shalt  }
0x3e: {  	_ =	shalt  }
0x3f: {  	_ =	shalt  }
0x40: {  	_ =	shalt  }
0x41: {  	_ =	shalt  }
0x42: {  	_ =	shalt  }
0x43: {  	_ =	shalt  }
0x44: {  	_ =	shalt  }
0x45: {  	_ =	shalt  }
0x46: {  	_ =	shalt  }
0x47: {  	_ =	shalt  }
0x48: {  	_ =	shalt  }
0x49: {  	_ =	shalt  }
0x4a: {  	_ =	shalt  }
0x4b: {  	_ =	shalt  }
0x4c: {  	_ =	shalt  }
0x4d: {  	_ =	shalt  }
0x4e: {  	_ =	shalt  }
0x4f: {  	_ =	shalt  }
0x50: {  	_ =	shalt  }
0x51: {  	_ =	shalt  }
0x52: {  	_ =	shalt  }
0x53: {  	_ =	shalt  }
0x54: {  	_ =	shalt  }
0x55: {  	_ =	shalt  }
0x56: {  	_ =	shalt  }
0x57: {  	_ =	shalt  }
0x58: {  	_ =	shalt  }
0x59: {  	_ =	shalt  }
0x5a: {  	_ =	shalt  }
0x5b: {  	_ =	shalt  }
0x5c: {  	_ =	shalt  }
0x5d: {  	_ =	shalt  }
0x5e: {  	_ =	shalt  }
0x5f: {  	_ =	shalt  }
0x60: {  	_ =	shalt  }
0x61: {  	_ =	shalt  }
0x62: {  	_ =	shalt  }
0x63: {  	_ =	shalt  }
0x64: {  	_ =	shalt  }
0x65: {  	_ =	shalt  }
0x66: {  	_ =	shalt  }
0x67: {  	_ =	shalt  }
0x68: {  	_ =	shalt  }
0x69: {  	_ =	shalt  }
0x6a: {  	_ =	shalt  }
0x6b: {  	_ =	shalt  }
0x6c: {  	_ =	shalt  }
0x6d: {  	_ =	shalt  }
0x6e: {  	_ =	shalt  }
0x6f: {  	_ =	shalt  }
0x70: {  	_ =	shalt  }
0x71: {  	_ =	shalt  }
0x72: {  	_ =	shalt  }
0x73: {  	_ =	shalt  }
0x74: {  	_ =	shalt  }
0x75: {  	_ =	shalt  }
0x76: {  	_ =	shalt  }
0x77: {  	_ =	shalt  }
0x78: {  	_ =	shalt  }
0x79: {  	_ =	shalt  }
0x7a: {  	_ =	shalt  }
0x7b: {  	_ =	shalt  }
0x7c: {  	_ =	shalt  }
0x7d: {  	_ =	shalt  }
0x7e: {  	_ =	shalt  }
0x7f: {  	_ =	shalt  }
0x80: {  	_ =	shalt  }
0x81: {  	_ =	shalt  }
0x82: {  	_ =	shalt  }
0x83: {  	_ =	shalt  }
0x84: {  	_ =	shalt  }
0x85: {  	_ =	shalt  }
0x86: {  	_ =	shalt  }
0x87: {  	_ =	shalt  }
.Lfunc_end0:
.L_simem_size_0:
called_computation_lowered:
.L_overlay_start_0:
0x88: {  	s2 =	sld [smem:$0x3FD9]  }
0x89: {  	s3 =	sld [smem:$0x3FFE];
	_ =	sdelay $0x1  }
0x8a: {  	s1 =	srdreg.scid  }
0x8b: {  	s0 =	sand.u32 $0x1, s1  }
0x8c: {  	s17 =	sshll.u32 s0, $0xA;
	s2 =	sadd.s32 s3, s2  }
0x8d: {  	s2 =	sadd.s32 s2, s17  }
0x8e: {  	[smem:$0x3FC6] =	sst s2  }
0x8f: {  	_ = 	snop  }
0x90: {  	s2 =	sld [smem:$0x3FD0];
	(tm) =	ssettm $0x1  }
0x91: {  	s18 =	sld [smem:$0x3FFB];
	_ =	sdelay $0x3  }
0x92: {  	_ =	strace s18  }
0x93: {  	s3 =	sld [smem:$0x3FFC];
	_ =	sdelay $0x3  }
0x94: {  	_ =	strace s3  }
0x95: {  	s3 =	sld [smem:$0x3FFD];
	_ =	sdelay $0x3  }
0x96: {  	_ =	strace s3  }
0x97: {  	_ =	strace $0x8FFFFFFF  }
0x98: {  	s19 =	sld [smem:$0x3FDB];
	_ =	sdelay $0x1  }
0x99: {  	s4 =	simm.s32 $_scs_section_size  }
0x9a: {  	s5 =	simm.s32 $_size__tile_overlayer_lowered;
	s6 =	simm.s32 $_tile_overlayer_lowered  }
0x9b: {  	s22 =	simm.s32 $0x1BFF;
	s21 =	sshll.u32 s6, $0x1;
	s3 =	sadd.s32 s4, s19  }
0x9c: {  	s7 =	simm.s32 $0x0;
	s20 =	sshll.u32 s5, $0x1;
	s5 =	sadd.s32 s21, s3  }
0x9d: {  	[timem:s7], [sflag:s22] =	dma.local [hbm:s5], s20  }
0x9e: {  	_ =	swait.ge [sflag:s22], s20  }
0x9f: {  	s4 =	ssub.s32 $0x0, s20;
	[sflag:s22] =	ssyncset.done $0x0  }
0xa0: {  	[sflag:s22] =	ssyncadd.s32 s4;
	_ =	sdelay $0x1  }
0xa1: {  	s23 =	simm.s32 $0x1B8B  }
0xa2: {  	_ =	swait.ge [sflag:s23], $0x1  }
0xa3: {  	[sflag:s23] =	ssyncset.done $0x0  }
0xa4: {  	s25 =	simm.s32 $0x1B8E;
	s24 =	sld [smem:$0x3FFE];
	[sflag:s23] =	ssyncadd.s32 $0xFFFFFFFF  }
0xa5: {  	s26 =	simm.s32 $execute0_lowered;
	[smem:$0x3FD2] =	sst s25  }
0xa6: {  	s5 =	sshll.u32 s26, $0x1;
	_ =	strace $0x80000046;
	[dreg:$0x1] =	wrdreg $0xFFFFFFFF  }
0xa7: {  	s28 =	simm.s32 $_size_execute0_lowered;
	s3 =	sadd.s32 s3, s5;
	[dreg:$0x0] =	wrdreg $0x0  }
0xa8: {  	s5 =	sshll.u32 s28, $0x1;
	[dreg:$0x2] =	wrdreg s3  }
0xa9: {  	[dreg:$0x3] =	wrdreg s5  }
0xaa: {  	[dreg:$0x4] =	wrdreg $0xC0  }
0xab: {  	_ =	task [dreg:s7], $0x5FFFF  }
0xac: {  	[dreg:$0x1] =	wrdreg $0xFFFFFFFF  }
0xad: {  	[dreg:$0x0] =	wrdreg $0x60  }
0xae: {  	[dreg:$0x2] =	wrdreg s24  }
0xaf: {  	[dreg:$0x3] =	wrdreg s2  }
0xb0: {  	[dreg:$0x4] =	wrdreg $0x0  }
0xb1: {  	[dreg:$0x5] =	wrdreg $0x9  }
0xb2: {  	_ =	task.clear_ibuf [dreg:s7], $0x6FFFF;
	_ =	strace $0x90000046  }
0xb3: {  	s29 =	simm.s32 $0x9;
	_ =	strace $0x80000048  }
0xb4: {  	_ =	swait.ge [sflag:s29], $0x1  }
0xb5: {  	[sflag:s29] =	ssyncadd.s32 $0xFFFFFFFF  }
0xb6: {  	_ =	strace $0x90000048  }
0xb7: {  	_ =	sfence  }
0xb8: {  	s30 =	sld [smem:$0x0];
	_ =	sdelay $0x2  }
0xb9: {  	s31 =	sshll.u32 s1, $0xD;
	s1 =	sshrl.u32 s1, $0x2  }
0xba: {  	s3 =	sand.u32 $0x4000, s31;
	s1 =	sadd.s32 s1, s30  }
0xbb: {  	s0 =	sor.u32 s3, s0;
	s1 =	sshll.u32 s1, $0x11  }
0xbc: {  	s0 =	sor.u32 s1, s0  }
0xbd: {  	s0 =	sadd.s32 $0x8F2B, s0  }
0xbe: {  	[sflag:s0] =	ssyncadd.remote.s32 $0x1  }
0xbf: {  	_ =	sfence.sel $0xFFFF  }
0xc0: {  	[dreg:$0x0] =	wrdreg $0xFFFFFFFF;
	(pc) =	sbr.abs _section_cstart, $3  }
0xc1: {  	[dreg:$0x1] =	wrdreg $0xFFFFFFFF  }
0xc2: {  	_ =	task.clear_ibuf [dreg:s7], $0x2FFFF;
	_ =	strace $0x9FFFFFFF  }
0xc3: {  	(tm) =	ssettm $0x7FFFFFFF  }
tec
execute0_lowered:
.L_overlay_start_1:
0x0: {  	(tag) =	ssettag $0x1  }
0x1: {  	s1 =	rddreg [dreg:$0x0]  }
0x2: {  	s0 =	srdreg.scid;
	s2 =	rddreg [dreg:$0x1]  }
0x3: {  	s8 =	stileid.u32;
	s4 =	rddreg [dreg:$0x2];
	s6 =	simm.s32 $0x0  }
0x4: {  	s3 =	sand.u32 $0x1, s0;
	s30 =	sshll.u32 s8, $0x1;
	s0 =	rddreg [dreg:$0x3]  }
0x5: {  	[smem:$0x7FF] =	sst s6;
	s5 =	sor.u32 s3, s30  }
0x6: {  	s1 =	sadd.s32 $0x600, s1;
	p0 =	sne.s32 s8, $0x0;
	s5 =	smul.u32 $0xC8000, s5  }
.Ltmp0:
0x7: {  	s4 =	sshrl.u32 s4, $0x3;
	s7 =	sshll.u32 s8, $0x6;
	(pc) =	sbr.rel .LBB2_1-.Ltmp0, $4  }
0x8: {  	s6 =	simm.s32 $0x1;
	p1 =	sgt.u32 s8, $0x3;
	s3 =	ssub.s32 $0x2, s3  }
0x9: {  	_ =	strace $0x80000047;
	s31 =	sshrl.u32 s3, $0x1;
	s5 =	sshrl.u32 s5, $0x3  }
0xa: {  	s7 =	sor.u32 $0x1C01, s7;
	s3 =	ssub.s32 s3, s31;
	s2 =	sadd.s32 s2, s5  }
0xb: {  	s3 =	smax.u32 s3, $0x1;
	s5 =	simm.s32 $0x1C01;
	s2 =	sadd.s32 $0xBB8000, s2  }
.LBB2_2:
0xc: {  	[spmem:s4], [sflag:s5] =	dma.local [hbm:s1], $0x19000  }
0xd: {  	_ =	swait.ge [sflag:s6], $0x19000  }
0xe: {  	[sflag:s6] =	ssyncset.done $0x0  }
0xf: {  	[sflag:s6] =	ssyncadd.s32 $0xFFFE7000  }
0x10: {  	[bflag:$0x0] =	sbarrier.arrive $0xFFFF  }
.LBB2_4:
0x11: {  	[hbm:s2], [sflag:s7] =	dma.local [spmem:s4], $0x19000  }
0x12: {  	_ =	swait.ge [sflag:s6], $0x19000  }
0x13: {  	[sflag:s6] =	ssyncset.done $0x0  }
0x14: {  	[sflag:s6] =	ssyncadd.s32 $0xFFFE7000  }
.LBB2_5:
0x15: {  	s3 =	sadd.s32 $0xFFFFFFFF, s3  }
0x16: {  	p2 =	sne.s32 s3, $0x0  }
.Ltmp1:
0x17: {  	_ = 	snop;
	(pc) =	sbr.rel @!p2 .LBB2_6-.Ltmp1, $1  }
0x18: {  	_ =	sdelay $0x3  }
.LBB2_1:
.Ltmp2:
0x19: {  	(pc) =	sbr.rel @!p0 .LBB2_2-.Ltmp2, $1  }
0x1a: {  	_ =	sdelay $0x3  }
.Ltmp3:
0x1b: {  	(pc) =	sbr.rel @p1 .LBB2_5-.Ltmp3, $4  }
.Ltmp4:
0x1c: {  	(pc) =	sbr.rel @!p1 .LBB2_4-.Ltmp4, $4  }
0x1d: {  	_ = 	snop  }
0x1e: {  	[bflag:$0x0] =	sbarrier.arrive $0xFFFF  }
0x1f: {  	_ = 	snop  }
0x20: {  	_ = 	snop  }
.LBB2_6:
0x21: {  	_ =	sfence.sel $0x180000  }
0x22: {  	[bflag:$0x0] =	sbarrier.arrive $0xFFFF  }
0x23: {  	_ =	strace $0x90000047  }
0x24: {  	s0 =	sadd.s32 @!p0 $0x100000, s0;
	[bflag:$0x2] =	sbarrier.arrive $0xFFFF  }
0x25: {  	[sflag:s0] =	ssyncadd.tile.s32 @!p0 $0x1;
	_ =	shalt  }
.Lfunc_end2:
_tile_overlayer_lowered:
.L_overlay_start_2:
0x26: {  	(tag) =	ssettag $0x2  }
0x27: {  	s0 =	rddreg [dreg:$0x0];
	s2 =	stileid.u32  }
0x28: {  	s1 =	rddreg [dreg:$0x1];
	p0 =	sne.s32 s2, $0x0  }
0x29: {  	s3 =	rddreg [dreg:$0x2];
	[bflag:$0x3] =	sbarrier.arrive $0xFFFF;
	s2 =	simm.s32 @!p0 $0x1C01  }
0x2a: {  	[timem:s3], [sflag:s2] =	dma.local @!p0 [hbm:s0], s1  }
0x2b: {  	s0 =	simm.s32 @!p0 $0x1  }
0x2c: {  	_ =	swait.ge @!p0 [sflag:s0], s1  }
0x2d: {  	s1 =	ssub.s32 @!p0 $0x0, s1;
	[sflag:s0] =	ssyncset.done @!p0 $0x0  }
0x2e: {  	[sflag:s0] =	ssyncadd.s32 @!p0 s1  }
0x2f: {  	[bflag:$0x3] =	sbarrier.arrive $0xFFFF  }
0x30: {  	_ =	shalt  }

</sc_bundles>
